<compile_context>
chip_gen: v7x
topology: tpu7x:2x2x1
jax: 0.10.2.dev20260603
libtpu: 0.0.44.dev20260713+nightly
codegen_flags: <defaults>
</compile_context>

<pallas_src>
import functools

import jax
import jax.numpy as jnp
from jax import lax
from jax.experimental import pallas as pl
from jax.experimental.pallas import tpu as pltpu
from jax.experimental.pallas import tpu_sc as plsc

_EPS = 1e-5
_NC = 2
_NS = 16
_NW = _NC * _NS
_F = 128
_LANES = 128


def _ceil_div(a, b):
    return -(-a // b)


def _deg_body(cpt, dst_hbm, ones_hbm, zer_hbm, out_hbm, dstv, onesv, acc):
    c = lax.axis_index("c")
    s = lax.axis_index("s")
    wid = s * _NC + c
    pltpu.sync_copy(dst_hbm.at[wid], dstv)
    pltpu.sync_copy(ones_hbm, onesv)
    stripe = acc.shape[0] // _NS
    pltpu.sync_copy(zer_hbm.at[pl.ds(s * stripe, stripe)],
                    acc.at[pl.ds(s * stripe, stripe)])
    plsc.subcore_barrier()

    def ebody(j, carry):
        pltpu.sync_copy(onesv, acc.at[dstv.at[j]], add=True)
        return carry

    lax.fori_loop(0, cpt, ebody, 0)
    plsc.subcore_barrier()
    pltpu.sync_copy(acc.at[pl.ds(s * stripe, stripe)],
                    out_hbm.at[c, pl.ds(s * stripe, stripe)])


def _make_deg_kernel(n_pad, cpt):
    mesh = plsc.VectorSubcoreMesh(core_axis_name="c", subcore_axis_name="s",
                                  num_cores=_NC, num_subcores=_NS)
    return pl.kernel(
        functools.partial(_deg_body, cpt),
        out_type=jax.ShapeDtypeStruct((_NC, n_pad, _F), jnp.float32),
        mesh=mesh,
        scratch_types=[
            pltpu.VMEM((cpt, _LANES), jnp.int32),
            pltpu.VMEM((_LANES, _F), jnp.float32),
            pltpu.VMEM_SHARED((n_pad, _F), jnp.float32),
        ],
    )


def _spmm_body(cpt, u_hbm, src_hbm, dst_hbm, zer_hbm, out_hbm,
               srcv, dstv, msgb, acc, gsem):
    c = lax.axis_index("c")
    s = lax.axis_index("s")
    wid = s * _NC + c
    pltpu.sync_copy(src_hbm.at[wid], srcv)
    pltpu.sync_copy(dst_hbm.at[wid], dstv)
    stripe = acc.shape[0] // _NS
    pltpu.sync_copy(zer_hbm.at[pl.ds(s * stripe, stripe)],
                    acc.at[pl.ds(s * stripe, stripe)])
    plsc.subcore_barrier()

    def ebody(j, carry):
        pltpu.async_copy(u_hbm.at[srcv.at[j]], msgb, gsem).wait()
        pltpu.sync_copy(msgb, acc.at[dstv.at[j]], add=True)
        return carry

    lax.fori_loop(0, cpt, ebody, 0)
    plsc.subcore_barrier()
    pltpu.sync_copy(acc.at[pl.ds(s * stripe, stripe)],
                    out_hbm.at[c, pl.ds(s * stripe, stripe)])


def _make_spmm_kernel(n_pad, cpt):
    mesh = plsc.VectorSubcoreMesh(core_axis_name="c", subcore_axis_name="s",
                                  num_cores=_NC, num_subcores=_NS)
    return pl.kernel(
        functools.partial(_spmm_body, cpt),
        out_type=jax.ShapeDtypeStruct((_NC, n_pad, _F), jnp.float32),
        mesh=mesh,
        scratch_types=[
            pltpu.VMEM((cpt, _LANES), jnp.int32),
            pltpu.VMEM((cpt, _LANES), jnp.int32),
            pltpu.VMEM((_LANES, _F), jnp.float32),
            pltpu.VMEM_SHARED((n_pad, _F), jnp.float32),
            pltpu.SemaphoreType.DMA,
        ],
    )


_RB = 1024


def _h1_body(x_ref, w_ref, h_ref):
    h_ref[...] = jnp.dot(x_ref[...], w_ref[...],
                         preferred_element_type=jnp.float32)


def _tc_h1(x_pad, w1, n_pad):
    nblk = n_pad // _RB
    return pl.pallas_call(
        _h1_body,
        grid=(nblk,),
        in_specs=[
            pl.BlockSpec((_RB, _F), lambda i: (i, 0)),
            pl.BlockSpec((_F, _F), lambda i: (0, 0)),
        ],
        out_specs=pl.BlockSpec((_RB, _F), lambda i: (i, 0)),
        out_shape=jax.ShapeDtypeStruct((n_pad, _F), jnp.float32),
    )(x_pad, w1)


def _pre_body(deg_ref, h_ref, dinv_ref, u_ref):
    d = deg_ref[...]
    deg = d[0, :, 0:1] + d[1, :, 0:1] + 1.0
    dinv = lax.rsqrt(deg)
    dinv_ref[...] = dinv
    u_ref[...] = h_ref[...] * dinv


def _tc_pre(deg_parts, h1, n_pad):
    nblk = n_pad // _RB
    return pl.pallas_call(
        _pre_body,
        grid=(nblk,),
        in_specs=[
            pl.BlockSpec((_NC, _RB, _F), lambda i: (0, i, 0)),
            pl.BlockSpec((_RB, _F), lambda i: (i, 0)),
        ],
        out_specs=[
            pl.BlockSpec((_RB, 1), lambda i: (i, 0)),
            pl.BlockSpec((_RB, _F), lambda i: (i, 0)),
        ],
        out_shape=[
            jax.ShapeDtypeStruct((n_pad, 1), jnp.float32),
            jax.ShapeDtypeStruct((n_pad, _F), jnp.float32),
        ],
    )(deg_parts, h1)


def _mid_body(parts_ref, u_ref, dinv_ref, b_ref, g_ref, be_ref, rm_ref,
              rv_ref, w_ref, un_ref):
    p = parts_ref[...]
    agg = p[0] + p[1] + u_ref[...]
    dinv = dinv_ref[...]
    t = agg * dinv + b_ref[...]
    alpha = g_ref[...] * lax.rsqrt(rv_ref[...] + _EPS)
    z = jnp.maximum((t - rm_ref[...]) * alpha + be_ref[...], 0.0)
    un_ref[...] = jnp.dot(z * dinv, w_ref[...],
                          preferred_element_type=jnp.float32)


def _tc_mid(parts, u, dinv, b, g, be, rm, rv, w, n_pad):
    nblk = n_pad // _RB
    vec = pl.BlockSpec((1, _F), lambda i: (0, 0))
    return pl.pallas_call(
        _mid_body,
        grid=(nblk,),
        in_specs=[
            pl.BlockSpec((_NC, _RB, _F), lambda i: (0, i, 0)),
            pl.BlockSpec((_RB, _F), lambda i: (i, 0)),
            pl.BlockSpec((_RB, 1), lambda i: (i, 0)),
            vec, vec, vec, vec, vec,
            pl.BlockSpec((_F, _F), lambda i: (0, 0)),
        ],
        out_specs=pl.BlockSpec((_RB, _F), lambda i: (i, 0)),
        out_shape=jax.ShapeDtypeStruct((n_pad, _F), jnp.float32),
    )(parts, u, dinv, b, g, be, rm, rv, w)


def _fin_body(parts_ref, u_ref, dinv_ref, b_ref, g_ref, be_ref, rm_ref,
              rv_ref, wc_ref, bc_ref, out_ref):
    p = parts_ref[...]
    agg = p[0] + p[1] + u_ref[...]
    t = agg * dinv_ref[...] + b_ref[...]
    alpha = g_ref[...] * lax.rsqrt(rv_ref[...] + _EPS)
    z = jnp.maximum((t - rm_ref[...]) * alpha + be_ref[...], 0.0)
    logits = jnp.dot(z, wc_ref[...], preferred_element_type=jnp.float32)
    logits = logits + bc_ref[...]
    m = jnp.max(logits, axis=-1, keepdims=True)
    ex = jnp.exp(logits - m)
    lse = m + jnp.log(jnp.sum(ex, axis=-1, keepdims=True))
    out_ref[...] = logits - lse


def _tc_fin(parts, u, dinv, b, g, be, rm, rv, wc, bc, n_pad):
    ncls = wc.shape[1]
    nblk = n_pad // _RB
    vec = pl.BlockSpec((1, _F), lambda i: (0, 0))
    return pl.pallas_call(
        _fin_body,
        grid=(nblk,),
        in_specs=[
            pl.BlockSpec((_NC, _RB, _F), lambda i: (0, i, 0)),
            pl.BlockSpec((_RB, _F), lambda i: (i, 0)),
            pl.BlockSpec((_RB, 1), lambda i: (i, 0)),
            vec, vec, vec, vec, vec,
            pl.BlockSpec((_F, ncls), lambda i: (0, 0)),
            pl.BlockSpec((1, ncls), lambda i: (0, 0)),
        ],
        out_specs=pl.BlockSpec((_RB, ncls), lambda i: (i, 0)),
        out_shape=jax.ShapeDtypeStruct((n_pad, ncls), jnp.float32),
    )(parts, u, dinv, b, g, be, rm, rv, wc, bc)


def _padw(w):
    return jnp.pad(w, ((0, _F - w.shape[0]), (0, _F - w.shape[1])))


def _padv(v):
    return jnp.pad(v, (0, _F - v.shape[0])).reshape(1, _F)


def kernel(x, edge_index, W1, b1, g1, be1, rm1, rv1, W2, b2, g2, be2, rm2,
           rv2, W3, b3, g3, be3, rm3, rv3, Wc, bc):
    n, din = x.shape
    e = edge_index.shape[1]
    n_pad = _ceil_div(n, _RB) * _RB
    ept = _ceil_div(e, _NW)
    cpt = _ceil_div(ept, _LANES)
    ept_pad = cpt * _LANES

    src = edge_index[0].reshape(_NW, ept)
    dst = edge_index[1].reshape(_NW, ept)
    pad = ept_pad - ept
    src3 = jnp.pad(src, ((0, 0), (0, pad))).reshape(_NW, cpt, _LANES)
    pad_dst = jnp.broadcast_to(
        (n + jnp.arange(_NW, dtype=dst.dtype))[:, None], (_NW, pad))
    dst3 = jnp.concatenate([dst, pad_dst], axis=1).reshape(_NW, cpt, _LANES)
    x_pad = jnp.pad(x, ((0, n_pad - n), (0, _F - din)))
    zer = jnp.zeros((n_pad, _F), jnp.float32)
    ones = jnp.ones((_LANES, _F), jnp.float32)

    h1 = _tc_h1(x_pad, _padw(W1), n_pad)
    deg_parts = _make_deg_kernel(n_pad, cpt)(dst3, ones, zer)
    dinv, u1 = _tc_pre(deg_parts, h1, n_pad)

    spmm = _make_spmm_kernel(n_pad, cpt)
    agg1 = spmm(u1, src3, dst3, zer)
    u2 = _tc_mid(agg1, u1, dinv, _padv(b1), _padv(g1), _padv(be1),
                 _padv(rm1), _padv(rv1), _padw(W2), n_pad)

    agg2 = spmm(u2, src3, dst3, zer)
    u3 = _tc_mid(agg2, u2, dinv, _padv(b2), _padv(g2), _padv(be2),
                 _padv(rm2), _padv(rv2), _padw(W3), n_pad)

    agg3 = spmm(u3, src3, dst3, zer)
    wc_pad = jnp.pad(Wc, ((0, _F - Wc.shape[0]), (0, 0)))
    out = _tc_fin(agg3, u3, dinv, _padv(b3), _padv(g3), _padv(be3),
                  _padv(rm3), _padv(rv3), wc_pad, bc.reshape(1, -1), n_pad)

    return out[:n]

# --- scband reference (transcript-rebuilt; emitter-appended) ---
"""Pipeline reference for scband-sentinel-flow-gcn-4758823764428 (READ-ONLY COPY).

The authoritative reference and input builder live on the scoring server;
editing this copy changes nothing except your own understanding.
"""

import jax, jax.numpy as jnp
import numpy as np

N = 10000
E = 320000
IN_DIM = 128
HID = 64
OUT_CONV = 32
NUM_CLASSES = 2
EPS = 1e-5


def gcn_conv(x, src, dst, W, b):
    # PyG GCNConv (improved=False, add_self_loops=True, normalize=True)
    h = x @ W
    n = x.shape[0]
    loop = jnp.arange(n, dtype=src.dtype)
    s = jnp.concatenate([src, loop])
    d = jnp.concatenate([dst, loop])
    w = jnp.ones(s.shape[0], dtype=x.dtype)
    deg = jnp.zeros(n, dtype=x.dtype).at[d].add(w)
    dinv = jnp.where(deg > 0, 1.0 / jnp.sqrt(deg), 0.0)
    norm = dinv[s] * w * dinv[d]
    msg = h[s] * norm[:, None]
    out = jnp.zeros((n, h.shape[1]), dtype=x.dtype).at[d].add(msg)
    return out + b


def batch_norm_eval(x, g, b, rm, rv):
    return (x - rm) / jnp.sqrt(rv + EPS) * g + b


def setup_inputs():
    def k(i):
        return jax.random.fold_in(jax.random.key(0), i)
    inp = {}
    inp["x"] = jax.random.normal(k(0), (N, IN_DIM), dtype=jnp.float32)
    inp["edge_index"] = jax.random.randint(k(1), (2, E), 0, N, dtype=jnp.int32)
    dims = [(IN_DIM, HID), (HID, HID), (HID, OUT_CONV)]
    c = 10
    for i, (din, dout) in enumerate(dims, start=1):
        inp["W%d" % i] = jax.random.normal(k(c), (din, dout), dtype=jnp.float32) * (1.0 / np.sqrt(din)); c += 1
        inp["b%d" % i] = jax.random.normal(k(c), (dout,), dtype=jnp.float32) * 0.01; c += 1
        inp["g%d" % i] = 1.0 + 0.1 * jax.random.normal(k(c), (dout,), dtype=jnp.float32); c += 1
        inp["be%d" % i] = 0.1 * jax.random.normal(k(c), (dout,), dtype=jnp.float32); c += 1
        inp["rm%d" % i] = 0.1 * jax.random.normal(k(c), (dout,), dtype=jnp.float32); c += 1
        inp["rv%d" % i] = 1.0 + 0.1 * jax.random.uniform(k(c), (dout,), dtype=jnp.float32); c += 1
    inp["Wc"] = jax.random.normal(k(c), (OUT_CONV, NUM_CLASSES), dtype=jnp.float32) * (1.0 / np.sqrt(OUT_CONV)); c += 1
    inp["bc"] = jax.random.normal(k(c), (NUM_CLASSES,), dtype=jnp.float32) * 0.01
    return inp


def reference(x, edge_index, W1, b1, g1, be1, rm1, rv1, W2, b2, g2, be2, rm2, rv2, W3, b3, g3, be3, rm3, rv3, Wc, bc):
    src = edge_index[0]
    dst = edge_index[1]
    h = gcn_conv(x, src, dst, W1, b1)
    h = batch_norm_eval(h, g1, be1, rm1, rv1)
    h = jax.nn.relu(h)
    # dropout is a no-op in eval mode
    h = gcn_conv(h, src, dst, W2, b2)
    h = batch_norm_eval(h, g2, be2, rm2, rv2)
    h = jax.nn.relu(h)
    h = gcn_conv(h, src, dst, W3, b3)
    h = batch_norm_eval(h, g3, be3, rm3, rv3)
    h = jax.nn.relu(h)
    logits = h @ Wc + bc
    return jax.nn.log_softmax(logits, axis=-1)

if __name__ == "__main__":
    import jax
    _d = setup_inputs()
    print(jax.jit(kernel)(*tuple(_d.values())))

</pallas_src>

<mosaic_0001>
#map = affine_map<(d0, d1) -> (0, 0)>
#map1 = affine_map<(d0, d1) -> (0, 0, 0)>
module attributes {stable_mosaic.version = 14 : i64} {
  func.func @_spmm_body(%arg0: i32, %arg1: i32, %arg2: memref<10240x128xf32, #tpu.memory_space<hbm>>, %arg3: memref<32x79x128xi32, #tpu.memory_space<hbm>>, %arg4: memref<32x79x128xi32, #tpu.memory_space<hbm>>, %arg5: memref<10240x128xf32, #tpu.memory_space<hbm>>, %arg6: memref<2x10240x128xf32, #tpu.memory_space<hbm>>, %arg7: memref<79x128xi32, #tpu.memory_space<vmem>>, %arg8: memref<79x128xi32, #tpu.memory_space<vmem>>, %arg9: memref<128x128xf32, #tpu.memory_space<vmem>>, %arg10: memref<10240x128xf32, #tpu.memory_space<vmem_shared>>, %arg11: memref<!tpu.dma_semaphore, #tpu.memory_space<semaphore_mem>>) attributes {dimension_semantics = [#tpu.dimension_semantics<core_parallel>, #tpu.dimension_semantics<subcore_parallel>], iteration_bounds = array<i64: 2, 16>, scalar_prefetch = 0 : i64, scratch_operands = 5 : i64, tpu.core_type = #tpu.core_type<sc_vector_subcore>, window_params = [{transform_indices = #map}, {transform_indices = #map1}, {transform_indices = #map1}, {transform_indices = #map}, {transform_indices = #map1}]} {
    %mul3A = arith.constant 2 : i32
    %mul3A_0 = arith.muli %arg1, %mul3A : i32
    %add3A = arith.addi %mul3A_0, %arg0 : i32
    "tpu.region"() ({
      %run_scoped3A = tpu.sem_alloc : memref<!tpu.dma_semaphore, #tpu.memory_space<semaphore_mem>>
      %dma_start3A = arith.constant 0 : i32
      %dma_start3A_15 = arith.constant 0 : i32
      %dma_start3A_16 = tpu.memref_slice %arg3[%add3A, %dma_start3A, %dma_start3A_15] : memref<32x79x128xi32, #tpu.memory_space<hbm>> -> memref<1x79x128xi32, #tpu.memory_space<hbm>>
      %dma_start3A_17 = tpu.memref_squeeze %dma_start3A_16 : memref<1x79x128xi32, #tpu.memory_space<hbm>> -> memref<79x128xi32, #tpu.memory_space<hbm>>
      %dma_start3A_18 = arith.constant 0 : i32
      %dma_start3A_19 = arith.constant 0 : i32
      %dma_start3A_20 = tpu.memref_slice %arg3[%add3A, %dma_start3A_18, %dma_start3A_19] : memref<32x79x128xi32, #tpu.memory_space<hbm>> -> memref<1x79x128xi32, #tpu.memory_space<hbm>>
      %dma_start3A_21 = tpu.memref_squeeze %dma_start3A_20 : memref<1x79x128xi32, #tpu.memory_space<hbm>> -> memref<79x128xi32, #tpu.memory_space<hbm>>
      tpu.enqueue_dma source(%dma_start3A_21 : memref<79x128xi32, #tpu.memory_space<hbm>>) target(%arg7 : memref<79x128xi32, #tpu.memory_space<vmem>>) target_semaphore(%run_scoped3A : memref<!tpu.dma_semaphore, #tpu.memory_space<semaphore_mem>>)
      %dma_wait3A = arith.constant 0 : i32
      %dma_wait3A_22 = arith.constant 0 : i32
      %dma_wait3A_23 = tpu.memref_slice %arg3[%add3A, %dma_wait3A, %dma_wait3A_22] : memref<32x79x128xi32, #tpu.memory_space<hbm>> -> memref<1x79x128xi32, #tpu.memory_space<hbm>>
      %dma_wait3A_24 = tpu.memref_squeeze %dma_wait3A_23 : memref<1x79x128xi32, #tpu.memory_space<hbm>> -> memref<79x128xi32, #tpu.memory_space<hbm>>
      %dma_wait3A_25 = arith.constant 0 : i32
      %dma_wait3A_26 = arith.constant 0 : i32
      %dma_wait3A_27 = tpu.memref_slice %arg3[%add3A, %dma_wait3A_25, %dma_wait3A_26] : memref<32x79x128xi32, #tpu.memory_space<hbm>> -> memref<1x79x128xi32, #tpu.memory_space<hbm>>
      %dma_wait3A_28 = tpu.memref_squeeze %dma_wait3A_27 : memref<1x79x128xi32, #tpu.memory_space<hbm>> -> memref<79x128xi32, #tpu.memory_space<hbm>>
      tpu.wait_dma2 semaphore(%run_scoped3A : memref<!tpu.dma_semaphore, #tpu.memory_space<semaphore_mem>>) src(%dma_wait3A_28 : memref<79x128xi32, #tpu.memory_space<hbm>>) dst(%arg7 : memref<79x128xi32, #tpu.memory_space<vmem>>)
      tpu.yield
    }) : () -> ()
    "tpu.region"() ({
      %run_scoped3A = tpu.sem_alloc : memref<!tpu.dma_semaphore, #tpu.memory_space<semaphore_mem>>
      %dma_start3A = arith.constant 0 : i32
      %dma_start3A_15 = arith.constant 0 : i32
      %dma_start3A_16 = tpu.memref_slice %arg4[%add3A, %dma_start3A, %dma_start3A_15] : memref<32x79x128xi32, #tpu.memory_space<hbm>> -> memref<1x79x128xi32, #tpu.memory_space<hbm>>
      %dma_start3A_17 = tpu.memref_squeeze %dma_start3A_16 : memref<1x79x128xi32, #tpu.memory_space<hbm>> -> memref<79x128xi32, #tpu.memory_space<hbm>>
      %dma_start3A_18 = arith.constant 0 : i32
      %dma_start3A_19 = arith.constant 0 : i32
      %dma_start3A_20 = tpu.memref_slice %arg4[%add3A, %dma_start3A_18, %dma_start3A_19] : memref<32x79x128xi32, #tpu.memory_space<hbm>> -> memref<1x79x128xi32, #tpu.memory_space<hbm>>
      %dma_start3A_21 = tpu.memref_squeeze %dma_start3A_20 : memref<1x79x128xi32, #tpu.memory_space<hbm>> -> memref<79x128xi32, #tpu.memory_space<hbm>>
      tpu.enqueue_dma source(%dma_start3A_21 : memref<79x128xi32, #tpu.memory_space<hbm>>) target(%arg8 : memref<79x128xi32, #tpu.memory_space<vmem>>) target_semaphore(%run_scoped3A : memref<!tpu.dma_semaphore, #tpu.memory_space<semaphore_mem>>)
      %dma_wait3A = arith.constant 0 : i32
      %dma_wait3A_22 = arith.constant 0 : i32
      %dma_wait3A_23 = tpu.memref_slice %arg4[%add3A, %dma_wait3A, %dma_wait3A_22] : memref<32x79x128xi32, #tpu.memory_space<hbm>> -> memref<1x79x128xi32, #tpu.memory_space<hbm>>
      %dma_wait3A_24 = tpu.memref_squeeze %dma_wait3A_23 : memref<1x79x128xi32, #tpu.memory_space<hbm>> -> memref<79x128xi32, #tpu.memory_space<hbm>>
      %dma_wait3A_25 = arith.constant 0 : i32
      %dma_wait3A_26 = arith.constant 0 : i32
      %dma_wait3A_27 = tpu.memref_slice %arg4[%add3A, %dma_wait3A_25, %dma_wait3A_26] : memref<32x79x128xi32, #tpu.memory_space<hbm>> -> memref<1x79x128xi32, #tpu.memory_space<hbm>>
      %dma_wait3A_28 = tpu.memref_squeeze %dma_wait3A_27 : memref<1x79x128xi32, #tpu.memory_space<hbm>> -> memref<79x128xi32, #tpu.memory_space<hbm>>
      tpu.wait_dma2 semaphore(%run_scoped3A : memref<!tpu.dma_semaphore, #tpu.memory_space<semaphore_mem>>) src(%dma_wait3A_28 : memref<79x128xi32, #tpu.memory_space<hbm>>) dst(%arg8 : memref<79x128xi32, #tpu.memory_space<vmem>>)
      tpu.yield
    }) : () -> ()
    %mul3A_1 = arith.constant 640 : i32
    %mul3A_2 = arith.muli %arg1, %mul3A_1 : i32
    %mul3A_3 = arith.constant 640 : i32
    %mul3A_4 = arith.muli %arg1, %mul3A_3 : i32
    "tpu.region"() ({
      %run_scoped3A = tpu.sem_alloc : memref<!tpu.dma_semaphore, #tpu.memory_space<semaphore_mem>>
      %dma_start3A = arith.constant 0 : i32
      %dma_start3A_15 = tpu.memref_slice %arg10[%mul3A_4, %dma_start3A] : memref<10240x128xf32, #tpu.memory_space<vmem_shared>> -> memref<640x128xf32, #tpu.memory_space<vmem_shared>>
      %dma_start3A_16 = arith.constant 0 : i32
      %dma_start3A_17 = tpu.memref_slice %arg5[%mul3A_2, %dma_start3A_16] : memref<10240x128xf32, #tpu.memory_space<hbm>> -> memref<640x128xf32, #tpu.memory_space<hbm>>
      tpu.enqueue_dma source(%dma_start3A_17 : memref<640x128xf32, #tpu.memory_space<hbm>>) target(%dma_start3A_15 : memref<640x128xf32, #tpu.memory_space<vmem_shared>>) target_semaphore(%run_scoped3A : memref<!tpu.dma_semaphore, #tpu.memory_space<semaphore_mem>>)
      %dma_wait3A = arith.constant 0 : i32
      %dma_wait3A_18 = tpu.memref_slice %arg10[%mul3A_4, %dma_wait3A] : memref<10240x128xf32, #tpu.memory_space<vmem_shared>> -> memref<640x128xf32, #tpu.memory_space<vmem_shared>>
      %dma_wait3A_19 = arith.constant 0 : i32
      %dma_wait3A_20 = tpu.memref_slice %arg5[%mul3A_2, %dma_wait3A_19] : memref<10240x128xf32, #tpu.memory_space<hbm>> -> memref<640x128xf32, #tpu.memory_space<hbm>>
      tpu.wait_dma2 semaphore(%run_scoped3A : memref<!tpu.dma_semaphore, #tpu.memory_space<semaphore_mem>>) src(%dma_wait3A_20 : memref<640x128xf32, #tpu.memory_space<hbm>>) dst(%dma_wait3A_18 : memref<640x128xf32, #tpu.memory_space<vmem_shared>>)
      tpu.yield
    }) : () -> ()
    %barrier3A = arith.constant 0 : index
    tpu.barrier barrier_id(%barrier3A)
    %scan3A = arith.constant 0 : i32
    %scan3A_5 = arith.constant 0 : i32
    %scan3A_6 = arith.constant 79 : i32
    %scan3A_7 = arith.addi %scan3A_5, %scan3A_6 : i32
    %scan3A_8 = arith.constant 1 : i32
    scf.for %scan3A_15 = %scan3A_5 to %scan3A_7 step %scan3A_8  : i32 {
      %dma_start3A = arith.constant 0 : i32
      %dma_start3A_16 = tpu.memref_slice %arg7[%scan3A_15, %dma_start3A] : memref<79x128xi32, #tpu.memory_space<vmem>> -> memref<1x128xi32, #tpu.memory_space<vmem>>
      %dma_start3A_17 = tpu.memref_squeeze %dma_start3A_16 : memref<1x128xi32, #tpu.memory_space<vmem>> -> memref<128xi32, #tpu.memory_space<vmem>>
      %dma_start3A_18 = arith.constant 0 : i32
      %dma_start3A_19 = arith.constant 0 : i32
      %dma_start3A_20 = tpu.memref_slice %arg2[%dma_start3A_18, %dma_start3A_19] : memref<10240x128xf32, #tpu.memory_space<hbm>> -> memref<10240x128xf32, #tpu.memory_space<hbm>>
      tpu.enqueue_indirect_dma source(%dma_start3A_20 : memref<10240x128xf32, #tpu.memory_space<hbm>>) target(%arg9 : memref<128x128xf32, #tpu.memory_space<vmem>>) offsets(%dma_start3A_17 : memref<128xi32, #tpu.memory_space<vmem>>) semaphore(%arg11 : memref<!tpu.dma_semaphore, #tpu.memory_space<semaphore_mem>>)
      %dma_wait3A = arith.constant 0 : i32
      %dma_wait3A_21 = tpu.memref_slice %arg7[%scan3A_15, %dma_wait3A] : memref<79x128xi32, #tpu.memory_space<vmem>> -> memref<1x128xi32, #tpu.memory_space<vmem>>
      %dma_wait3A_22 = tpu.memref_squeeze %dma_wait3A_21 : memref<1x128xi32, #tpu.memory_space<vmem>> -> memref<128xi32, #tpu.memory_space<vmem>>
      %dma_wait3A_23 = arith.constant 0 : i32
      %dma_wait3A_24 = arith.constant 0 : i32
      %dma_wait3A_25 = tpu.memref_slice %arg2[%dma_wait3A_23, %dma_wait3A_24] : memref<10240x128xf32, #tpu.memory_space<hbm>> -> memref<10240x128xf32, #tpu.memory_space<hbm>>
      tpu.wait_indirect_dma semaphore(%arg11 : memref<!tpu.dma_semaphore, #tpu.memory_space<semaphore_mem>>) src(%dma_wait3A_25 : memref<10240x128xf32, #tpu.memory_space<hbm>>) dst(%arg9 : memref<128x128xf32, #tpu.memory_space<vmem>>)
      "tpu.region"() ({
        %run_scoped3A = tpu.sem_alloc : memref<!tpu.dma_semaphore, #tpu.memory_space<semaphore_mem>>
        %dma_start3A_26 = arith.constant 0 : i32
        %dma_start3A_27 = tpu.memref_slice %arg8[%scan3A_15, %dma_start3A_26] : memref<79x128xi32, #tpu.memory_space<vmem>> -> memref<1x128xi32, #tpu.memory_space<vmem>>
        %dma_start3A_28 = tpu.memref_squeeze %dma_start3A_27 : memref<1x128xi32, #tpu.memory_space<vmem>> -> memref<128xi32, #tpu.memory_space<vmem>>
        %dma_start3A_29 = arith.constant 0 : i32
        %dma_start3A_30 = arith.constant 0 : i32
        %dma_start3A_31 = tpu.memref_slice %arg10[%dma_start3A_29, %dma_start3A_30] : memref<10240x128xf32, #tpu.memory_space<vmem_shared>> -> memref<10240x128xf32, #tpu.memory_space<vmem_shared>>
        tpu.enqueue_indirect_dma source(%arg9 : memref<128x128xf32, #tpu.memory_space<vmem>>) target(%dma_start3A_31 : memref<10240x128xf32, #tpu.memory_space<vmem_shared>>) offsets(%dma_start3A_28 : memref<128xi32, #tpu.memory_space<vmem>>) semaphore(%run_scoped3A : memref<!tpu.dma_semaphore, #tpu.memory_space<semaphore_mem>>) {add = true}
        %dma_wait3A_32 = arith.constant 0 : i32
        %dma_wait3A_33 = tpu.memref_slice %arg8[%scan3A_15, %dma_wait3A_32] : memref<79x128xi32, #tpu.memory_space<vmem>> -> memref<1x128xi32, #tpu.memory_space<vmem>>
        %dma_wait3A_34 = tpu.memref_squeeze %dma_wait3A_33 : memref<1x128xi32, #tpu.memory_space<vmem>> -> memref<128xi32, #tpu.memory_space<vmem>>
        %dma_wait3A_35 = arith.constant 0 : i32
        %dma_wait3A_36 = arith.constant 0 : i32
        %dma_wait3A_37 = tpu.memref_slice %arg10[%dma_wait3A_35, %dma_wait3A_36] : memref<10240x128xf32, #tpu.memory_space<vmem_shared>> -> memref<10240x128xf32, #tpu.memory_space<vmem_shared>>
        tpu.wait_indirect_dma semaphore(%run_scoped3A : memref<!tpu.dma_semaphore, #tpu.memory_space<semaphore_mem>>) src(%arg9 : memref<128x128xf32, #tpu.memory_space<vmem>>) dst(%dma_wait3A_37 : memref<10240x128xf32, #tpu.memory_space<vmem_shared>>)
        tpu.yield
      }) : () -> ()
    }
    %scan3A_9 = arith.constant 79 : i32
    %barrier3A_10 = arith.constant 0 : index
    tpu.barrier barrier_id(%barrier3A_10)
    %mul3A_11 = arith.constant 640 : i32
    %mul3A_12 = arith.muli %arg1, %mul3A_11 : i32
    %mul3A_13 = arith.constant 640 : i32
    %mul3A_14 = arith.muli %arg1, %mul3A_13 : i32
    "tpu.region"() ({
      %run_scoped3A = tpu.sem_alloc : memref<!tpu.dma_semaphore, #tpu.memory_space<semaphore_mem>>
      %dma_start3A = arith.constant 0 : i32
      %dma_start3A_15 = tpu.memref_slice %arg6[%arg0, %mul3A_14, %dma_start3A] : memref<2x10240x128xf32, #tpu.memory_space<hbm>> -> memref<1x640x128xf32, #tpu.memory_space<hbm>>
      %dma_start3A_16 = tpu.memref_squeeze %dma_start3A_15 : memref<1x640x128xf32, #tpu.memory_space<hbm>> -> memref<640x128xf32, #tpu.memory_space<hbm>>
      %dma_start3A_17 = arith.constant 0 : i32
      %dma_start3A_18 = tpu.memref_slice %arg10[%mul3A_12, %dma_start3A_17] : memref<10240x128xf32, #tpu.memory_space<vmem_shared>> -> memref<640x128xf32, #tpu.memory_space<vmem_shared>>
      tpu.enqueue_dma source(%dma_start3A_18 : memref<640x128xf32, #tpu.memory_space<vmem_shared>>) target(%dma_start3A_16 : memref<640x128xf32, #tpu.memory_space<hbm>>) target_semaphore(%run_scoped3A : memref<!tpu.dma_semaphore, #tpu.memory_space<semaphore_mem>>)
      %dma_wait3A = arith.constant 0 : i32
      %dma_wait3A_19 = tpu.memref_slice %arg6[%arg0, %mul3A_14, %dma_wait3A] : memref<2x10240x128xf32, #tpu.memory_space<hbm>> -> memref<1x640x128xf32, #tpu.memory_space<hbm>>
      %dma_wait3A_20 = tpu.memref_squeeze %dma_wait3A_19 : memref<1x640x128xf32, #tpu.memory_space<hbm>> -> memref<640x128xf32, #tpu.memory_space<hbm>>
      %dma_wait3A_21 = arith.constant 0 : i32
      %dma_wait3A_22 = tpu.memref_slice %arg10[%mul3A_12, %dma_wait3A_21] : memref<10240x128xf32, #tpu.memory_space<vmem_shared>> -> memref<640x128xf32, #tpu.memory_space<vmem_shared>>
      tpu.wait_dma2 semaphore(%run_scoped3A : memref<!tpu.dma_semaphore, #tpu.memory_space<semaphore_mem>>) src(%dma_wait3A_22 : memref<640x128xf32, #tpu.memory_space<vmem_shared>>) dst(%dma_wait3A_20 : memref<640x128xf32, #tpu.memory_space<hbm>>)
      tpu.yield
    }) : () -> ()
    return
  }
}

#map = affine_map<(d0, d1) -> (0, 0, 0)>
#map1 = affine_map<(d0, d1) -> (0, 0)>
module attributes {stable_mosaic.version = 14 : i64} {
  func.func @_deg_body(%arg0: i32, %arg1: i32, %arg2: memref<32x79x128xi32, #tpu.memory_space<hbm>>, %arg3: memref<128x128xf32, #tpu.memory_space<hbm>>, %arg4: memref<10240x128xf32, #tpu.memory_space<hbm>>, %arg5: memref<2x10240x128xf32, #tpu.memory_space<hbm>>, %arg6: memref<79x128xi32, #tpu.memory_space<vmem>>, %arg7: memref<128x128xf32, #tpu.memory_space<vmem>>, %arg8: memref<10240x128xf32, #tpu.memory_space<vmem_shared>>) attributes {dimension_semantics = [#tpu.dimension_semantics<core_parallel>, #tpu.dimension_semantics<subcore_parallel>], iteration_bounds = array<i64: 2, 16>, scalar_prefetch = 0 : i64, scratch_operands = 3 : i64, tpu.core_type = #tpu.core_type<sc_vector_subcore>, window_params = [{transform_indices = #map}, {transform_indices = #map1}, {transform_indices = #map1}, {transform_indices = #map}]} {
    %mul3A = arith.constant 2 : i32
    %mul3A_0 = arith.muli %arg1, %mul3A : i32
    %add3A = arith.addi %mul3A_0, %arg0 : i32
    "tpu.region"() ({
      %run_scoped3A = tpu.sem_alloc : memref<!tpu.dma_semaphore, #tpu.memory_space<semaphore_mem>>
      %dma_start3A = arith.constant 0 : i32
      %dma_start3A_15 = arith.constant 0 : i32
      %dma_start3A_16 = tpu.memref_slice %arg2[%add3A, %dma_start3A, %dma_start3A_15] : memref<32x79x128xi32, #tpu.memory_space<hbm>> -> memref<1x79x128xi32, #tpu.memory_space<hbm>>
      %dma_start3A_17 = tpu.memref_squeeze %dma_start3A_16 : memref<1x79x128xi32, #tpu.memory_space<hbm>> -> memref<79x128xi32, #tpu.memory_space<hbm>>
      %dma_start3A_18 = arith.constant 0 : i32
      %dma_start3A_19 = arith.constant 0 : i32
      %dma_start3A_20 = tpu.memref_slice %arg2[%add3A, %dma_start3A_18, %dma_start3A_19] : memref<32x79x128xi32, #tpu.memory_space<hbm>> -> memref<1x79x128xi32, #tpu.memory_space<hbm>>
      %dma_start3A_21 = tpu.memref_squeeze %dma_start3A_20 : memref<1x79x128xi32, #tpu.memory_space<hbm>> -> memref<79x128xi32, #tpu.memory_space<hbm>>
      tpu.enqueue_dma source(%dma_start3A_21 : memref<79x128xi32, #tpu.memory_space<hbm>>) target(%arg6 : memref<79x128xi32, #tpu.memory_space<vmem>>) target_semaphore(%run_scoped3A : memref<!tpu.dma_semaphore, #tpu.memory_space<semaphore_mem>>)
      %dma_wait3A = arith.constant 0 : i32
      %dma_wait3A_22 = arith.constant 0 : i32
      %dma_wait3A_23 = tpu.memref_slice %arg2[%add3A, %dma_wait3A, %dma_wait3A_22] : memref<32x79x128xi32, #tpu.memory_space<hbm>> -> memref<1x79x128xi32, #tpu.memory_space<hbm>>
      %dma_wait3A_24 = tpu.memref_squeeze %dma_wait3A_23 : memref<1x79x128xi32, #tpu.memory_space<hbm>> -> memref<79x128xi32, #tpu.memory_space<hbm>>
      %dma_wait3A_25 = arith.constant 0 : i32
      %dma_wait3A_26 = arith.constant 0 : i32
      %dma_wait3A_27 = tpu.memref_slice %arg2[%add3A, %dma_wait3A_25, %dma_wait3A_26] : memref<32x79x128xi32, #tpu.memory_space<hbm>> -> memref<1x79x128xi32, #tpu.memory_space<hbm>>
      %dma_wait3A_28 = tpu.memref_squeeze %dma_wait3A_27 : memref<1x79x128xi32, #tpu.memory_space<hbm>> -> memref<79x128xi32, #tpu.memory_space<hbm>>
      tpu.wait_dma2 semaphore(%run_scoped3A : memref<!tpu.dma_semaphore, #tpu.memory_space<semaphore_mem>>) src(%dma_wait3A_28 : memref<79x128xi32, #tpu.memory_space<hbm>>) dst(%arg6 : memref<79x128xi32, #tpu.memory_space<vmem>>)
      tpu.yield
    }) : () -> ()
    "tpu.region"() ({
      %run_scoped3A = tpu.sem_alloc : memref<!tpu.dma_semaphore, #tpu.memory_space<semaphore_mem>>
      tpu.enqueue_dma source(%arg3 : memref<128x128xf32, #tpu.memory_space<hbm>>) target(%arg7 : memref<128x128xf32, #tpu.memory_space<vmem>>) target_semaphore(%run_scoped3A : memref<!tpu.dma_semaphore, #tpu.memory_space<semaphore_mem>>)
      tpu.wait_dma2 semaphore(%run_scoped3A : memref<!tpu.dma_semaphore, #tpu.memory_space<semaphore_mem>>) src(%arg3 : memref<128x128xf32, #tpu.memory_space<hbm>>) dst(%arg7 : memref<128x128xf32, #tpu.memory_space<vmem>>)
      tpu.yield
    }) : () -> ()
    %mul3A_1 = arith.constant 640 : i32
    %mul3A_2 = arith.muli %arg1, %mul3A_1 : i32
    %mul3A_3 = arith.constant 640 : i32
    %mul3A_4 = arith.muli %arg1, %mul3A_3 : i32
    "tpu.region"() ({
      %run_scoped3A = tpu.sem_alloc : memref<!tpu.dma_semaphore, #tpu.memory_space<semaphore_mem>>
      %dma_start3A = arith.constant 0 : i32
      %dma_start3A_15 = tpu.memref_slice %arg8[%mul3A_4, %dma_start3A] : memref<10240x128xf32, #tpu.memory_space<vmem_shared>> -> memref<640x128xf32, #tpu.memory_space<vmem_shared>>
      %dma_start3A_16 = arith.constant 0 : i32
      %dma_start3A_17 = tpu.memref_slice %arg4[%mul3A_2, %dma_start3A_16] : memref<10240x128xf32, #tpu.memory_space<hbm>> -> memref<640x128xf32, #tpu.memory_space<hbm>>
      tpu.enqueue_dma source(%dma_start3A_17 : memref<640x128xf32, #tpu.memory_space<hbm>>) target(%dma_start3A_15 : memref<640x128xf32, #tpu.memory_space<vmem_shared>>) target_semaphore(%run_scoped3A : memref<!tpu.dma_semaphore, #tpu.memory_space<semaphore_mem>>)
      %dma_wait3A = arith.constant 0 : i32
      %dma_wait3A_18 = tpu.memref_slice %arg8[%mul3A_4, %dma_wait3A] : memref<10240x128xf32, #tpu.memory_space<vmem_shared>> -> memref<640x128xf32, #tpu.memory_space<vmem_shared>>
      %dma_wait3A_19 = arith.constant 0 : i32
      %dma_wait3A_20 = tpu.memref_slice %arg4[%mul3A_2, %dma_wait3A_19] : memref<10240x128xf32, #tpu.memory_space<hbm>> -> memref<640x128xf32, #tpu.memory_space<hbm>>
      tpu.wait_dma2 semaphore(%run_scoped3A : memref<!tpu.dma_semaphore, #tpu.memory_space<semaphore_mem>>) src(%dma_wait3A_20 : memref<640x128xf32, #tpu.memory_space<hbm>>) dst(%dma_wait3A_18 : memref<640x128xf32, #tpu.memory_space<vmem_shared>>)
      tpu.yield
    }) : () -> ()
    %barrier3A = arith.constant 0 : index
    tpu.barrier barrier_id(%barrier3A)
    %scan3A = arith.constant 0 : i32
    %scan3A_5 = arith.constant 0 : i32
    %scan3A_6 = arith.constant 79 : i32
    %scan3A_7 = arith.addi %scan3A_5, %scan3A_6 : i32
    %scan3A_8 = arith.constant 1 : i32
    scf.for %scan3A_15 = %scan3A_5 to %scan3A_7 step %scan3A_8  : i32 {
      "tpu.region"() ({
        %run_scoped3A = tpu.sem_alloc : memref<!tpu.dma_semaphore, #tpu.memory_space<semaphore_mem>>
        %dma_start3A = arith.constant 0 : i32
        %dma_start3A_16 = tpu.memref_slice %arg6[%scan3A_15, %dma_start3A] : memref<79x128xi32, #tpu.memory_space<vmem>> -> memref<1x128xi32, #tpu.memory_space<vmem>>
        %dma_start3A_17 = tpu.memref_squeeze %dma_start3A_16 : memref<1x128xi32, #tpu.memory_space<vmem>> -> memref<128xi32, #tpu.memory_space<vmem>>
        %dma_start3A_18 = arith.constant 0 : i32
        %dma_start3A_19 = arith.constant 0 : i32
        %dma_start3A_20 = tpu.memref_slice %arg8[%dma_start3A_18, %dma_start3A_19] : memref<10240x128xf32, #tpu.memory_space<vmem_shared>> -> memref<10240x128xf32, #tpu.memory_space<vmem_shared>>
        tpu.enqueue_indirect_dma source(%arg7 : memref<128x128xf32, #tpu.memory_space<vmem>>) target(%dma_start3A_20 : memref<10240x128xf32, #tpu.memory_space<vmem_shared>>) offsets(%dma_start3A_17 : memref<128xi32, #tpu.memory_space<vmem>>) semaphore(%run_scoped3A : memref<!tpu.dma_semaphore, #tpu.memory_space<semaphore_mem>>) {add = true}
        %dma_wait3A = arith.constant 0 : i32
        %dma_wait3A_21 = tpu.memref_slice %arg6[%scan3A_15, %dma_wait3A] : memref<79x128xi32, #tpu.memory_space<vmem>> -> memref<1x128xi32, #tpu.memory_space<vmem>>
        %dma_wait3A_22 = tpu.memref_squeeze %dma_wait3A_21 : memref<1x128xi32, #tpu.memory_space<vmem>> -> memref<128xi32, #tpu.memory_space<vmem>>
        %dma_wait3A_23 = arith.constant 0 : i32
        %dma_wait3A_24 = arith.constant 0 : i32
        %dma_wait3A_25 = tpu.memref_slice %arg8[%dma_wait3A_23, %dma_wait3A_24] : memref<10240x128xf32, #tpu.memory_space<vmem_shared>> -> memref<10240x128xf32, #tpu.memory_space<vmem_shared>>
        tpu.wait_indirect_dma semaphore(%run_scoped3A : memref<!tpu.dma_semaphore, #tpu.memory_space<semaphore_mem>>) src(%arg7 : memref<128x128xf32, #tpu.memory_space<vmem>>) dst(%dma_wait3A_25 : memref<10240x128xf32, #tpu.memory_space<vmem_shared>>)
        tpu.yield
      }) : () -> ()
    }
    %scan3A_9 = arith.constant 79 : i32
    %barrier3A_10 = arith.constant 0 : index
    tpu.barrier barrier_id(%barrier3A_10)
    %mul3A_11 = arith.constant 640 : i32
    %mul3A_12 = arith.muli %arg1, %mul3A_11 : i32
    %mul3A_13 = arith.constant 640 : i32
    %mul3A_14 = arith.muli %arg1, %mul3A_13 : i32
    "tpu.region"() ({
      %run_scoped3A = tpu.sem_alloc : memref<!tpu.dma_semaphore, #tpu.memory_space<semaphore_mem>>
      %dma_start3A = arith.constant 0 : i32
      %dma_start3A_15 = tpu.memref_slice %arg5[%arg0, %mul3A_14, %dma_start3A] : memref<2x10240x128xf32, #tpu.memory_space<hbm>> -> memref<1x640x128xf32, #tpu.memory_space<hbm>>
      %dma_start3A_16 = tpu.memref_squeeze %dma_start3A_15 : memref<1x640x128xf32, #tpu.memory_space<hbm>> -> memref<640x128xf32, #tpu.memory_space<hbm>>
      %dma_start3A_17 = arith.constant 0 : i32
      %dma_start3A_18 = tpu.memref_slice %arg8[%mul3A_12, %dma_start3A_17] : memref<10240x128xf32, #tpu.memory_space<vmem_shared>> -> memref<640x128xf32, #tpu.memory_space<vmem_shared>>
      tpu.enqueue_dma source(%dma_start3A_18 : memref<640x128xf32, #tpu.memory_space<vmem_shared>>) target(%dma_start3A_16 : memref<640x128xf32, #tpu.memory_space<hbm>>) target_semaphore(%run_scoped3A : memref<!tpu.dma_semaphore, #tpu.memory_space<semaphore_mem>>)
      %dma_wait3A = arith.constant 0 : i32
      %dma_wait3A_19 = tpu.memref_slice %arg5[%arg0, %mul3A_14, %dma_wait3A] : memref<2x10240x128xf32, #tpu.memory_space<hbm>> -> memref<1x640x128xf32, #tpu.memory_space<hbm>>
      %dma_wait3A_20 = tpu.memref_squeeze %dma_wait3A_19 : memref<1x640x128xf32, #tpu.memory_space<hbm>> -> memref<640x128xf32, #tpu.memory_space<hbm>>
      %dma_wait3A_21 = arith.constant 0 : i32
      %dma_wait3A_22 = tpu.memref_slice %arg8[%mul3A_12, %dma_wait3A_21] : memref<10240x128xf32, #tpu.memory_space<vmem_shared>> -> memref<640x128xf32, #tpu.memory_space<vmem_shared>>
      tpu.wait_dma2 semaphore(%run_scoped3A : memref<!tpu.dma_semaphore, #tpu.memory_space<semaphore_mem>>) src(%dma_wait3A_22 : memref<640x128xf32, #tpu.memory_space<vmem_shared>>) dst(%dma_wait3A_20 : memref<640x128xf32, #tpu.memory_space<hbm>>)
      tpu.yield
    }) : () -> ()
    return
  }
}

#map = affine_map<(d0, d1) -> (0, 0)>
#map1 = affine_map<(d0, d1) -> (0, 0, 0)>
module attributes {stable_mosaic.version = 14 : i64} {
  func.func @_spmm_body(%arg0: i32, %arg1: i32, %arg2: memref<10240x128xf32, #tpu.memory_space<hbm>>, %arg3: memref<32x79x128xi32, #tpu.memory_space<hbm>>, %arg4: memref<32x79x128xi32, #tpu.memory_space<hbm>>, %arg5: memref<10240x128xf32, #tpu.memory_space<hbm>>, %arg6: memref<2x10240x128xf32, #tpu.memory_space<hbm>>, %arg7: memref<79x128xi32, #tpu.memory_space<vmem>>, %arg8: memref<79x128xi32, #tpu.memory_space<vmem>>, %arg9: memref<128x128xf32, #tpu.memory_space<vmem>>, %arg10: memref<10240x128xf32, #tpu.memory_space<vmem_shared>>, %arg11: memref<!tpu.dma_semaphore, #tpu.memory_space<semaphore_mem>>) attributes {dimension_semantics = [#tpu.dimension_semantics<core_parallel>, #tpu.dimension_semantics<subcore_parallel>], iteration_bounds = array<i64: 2, 16>, scalar_prefetch = 0 : i64, scratch_operands = 5 : i64, tpu.core_type = #tpu.core_type<sc_vector_subcore>, window_params = [{transform_indices = #map}, {transform_indices = #map1}, {transform_indices = #map1}, {transform_indices = #map}, {transform_indices = #map1}]} {
    %mul3A = arith.constant 2 : i32
    %mul3A_0 = arith.muli %arg1, %mul3A : i32
    %add3A = arith.addi %mul3A_0, %arg0 : i32
    "tpu.region"() ({
      %run_scoped3A = tpu.sem_alloc : memref<!tpu.dma_semaphore, #tpu.memory_space<semaphore_mem>>
      %dma_start3A = arith.constant 0 : i32
      %dma_start3A_15 = arith.constant 0 : i32
      %dma_start3A_16 = tpu.memref_slice %arg3[%add3A, %dma_start3A, %dma_start3A_15] : memref<32x79x128xi32, #tpu.memory_space<hbm>> -> memref<1x79x128xi32, #tpu.memory_space<hbm>>
      %dma_start3A_17 = tpu.memref_squeeze %dma_start3A_16 : memref<1x79x128xi32, #tpu.memory_space<hbm>> -> memref<79x128xi32, #tpu.memory_space<hbm>>
      %dma_start3A_18 = arith.constant 0 : i32
      %dma_start3A_19 = arith.constant 0 : i32
      %dma_start3A_20 = tpu.memref_slice %arg3[%add3A, %dma_start3A_18, %dma_start3A_19] : memref<32x79x128xi32, #tpu.memory_space<hbm>> -> memref<1x79x128xi32, #tpu.memory_space<hbm>>
      %dma_start3A_21 = tpu.memref_squeeze %dma_start3A_20 : memref<1x79x128xi32, #tpu.memory_space<hbm>> -> memref<79x128xi32, #tpu.memory_space<hbm>>
      tpu.enqueue_dma source(%dma_start3A_21 : memref<79x128xi32, #tpu.memory_space<hbm>>) target(%arg7 : memref<79x128xi32, #tpu.memory_space<vmem>>) target_semaphore(%run_scoped3A : memref<!tpu.dma_semaphore, #tpu.memory_space<semaphore_mem>>)
      %dma_wait3A = arith.constant 0 : i32
      %dma_wait3A_22 = arith.constant 0 : i32
      %dma_wait3A_23 = tpu.memref_slice %arg3[%add3A, %dma_wait3A, %dma_wait3A_22] : memref<32x79x128xi32, #tpu.memory_space<hbm>> -> memref<1x79x128xi32, #tpu.memory_space<hbm>>
      %dma_wait3A_24 = tpu.memref_squeeze %dma_wait3A_23 : memref<1x79x128xi32, #tpu.memory_space<hbm>> -> memref<79x128xi32, #tpu.memory_space<hbm>>
      %dma_wait3A_25 = arith.constant 0 : i32
      %dma_wait3A_26 = arith.constant 0 : i32
      %dma_wait3A_27 = tpu.memref_slice %arg3[%add3A, %dma_wait3A_25, %dma_wait3A_26] : memref<32x79x128xi32, #tpu.memory_space<hbm>> -> memref<1x79x128xi32, #tpu.memory_space<hbm>>
      %dma_wait3A_28 = tpu.memref_squeeze %dma_wait3A_27 : memref<1x79x128xi32, #tpu.memory_space<hbm>> -> memref<79x128xi32, #tpu.memory_space<hbm>>
      tpu.wait_dma2 semaphore(%run_scoped3A : memref<!tpu.dma_semaphore, #tpu.memory_space<semaphore_mem>>) src(%dma_wait3A_28 : memref<79x128xi32, #tpu.memory_space<hbm>>) dst(%arg7 : memref<79x128xi32, #tpu.memory_space<vmem>>)
      tpu.yield
    }) : () -> ()
    "tpu.region"() ({
      %run_scoped3A = tpu.sem_alloc : memref<!tpu.dma_semaphore, #tpu.memory_space<semaphore_mem>>
      %dma_start3A = arith.constant 0 : i32
      %dma_start3A_15 = arith.constant 0 : i32
      %dma_start3A_16 = tpu.memref_slice %arg4[%add3A, %dma_start3A, %dma_start3A_15] : memref<32x79x128xi32, #tpu.memory_space<hbm>> -> memref<1x79x128xi32, #tpu.memory_space<hbm>>
      %dma_start3A_17 = tpu.memref_squeeze %dma_start3A_16 : memref<1x79x128xi32, #tpu.memory_space<hbm>> -> memref<79x128xi32, #tpu.memory_space<hbm>>
      %dma_start3A_18 = arith.constant 0 : i32
      %dma_start3A_19 = arith.constant 0 : i32
      %dma_start3A_20 = tpu.memref_slice %arg4[%add3A, %dma_start3A_18, %dma_start3A_19] : memref<32x79x128xi32, #tpu.memory_space<hbm>> -> memref<1x79x128xi32, #tpu.memory_space<hbm>>
      %dma_start3A_21 = tpu.memref_squeeze %dma_start3A_20 : memref<1x79x128xi32, #tpu.memory_space<hbm>> -> memref<79x128xi32, #tpu.memory_space<hbm>>
      tpu.enqueue_dma source(%dma_start3A_21 : memref<79x128xi32, #tpu.memory_space<hbm>>) target(%arg8 : memref<79x128xi32, #tpu.memory_space<vmem>>) target_semaphore(%run_scoped3A : memref<!tpu.dma_semaphore, #tpu.memory_space<semaphore_mem>>)
      %dma_wait3A = arith.constant 0 : i32
      %dma_wait3A_22 = arith.constant 0 : i32
      %dma_wait3A_23 = tpu.memref_slice %arg4[%add3A, %dma_wait3A, %dma_wait3A_22] : memref<32x79x128xi32, #tpu.memory_space<hbm>> -> memref<1x79x128xi32, #tpu.memory_space<hbm>>
      %dma_wait3A_24 = tpu.memref_squeeze %dma_wait3A_23 : memref<1x79x128xi32, #tpu.memory_space<hbm>> -> memref<79x128xi32, #tpu.memory_space<hbm>>
      %dma_wait3A_25 = arith.constant 0 : i32
      %dma_wait3A_26 = arith.constant 0 : i32
      %dma_wait3A_27 = tpu.memref_slice %arg4[%add3A, %dma_wait3A_25, %dma_wait3A_26] : memref<32x79x128xi32, #tpu.memory_space<hbm>> -> memref<1x79x128xi32, #tpu.memory_space<hbm>>
      %dma_wait3A_28 = tpu.memref_squeeze %dma_wait3A_27 : memref<1x79x128xi32, #tpu.memory_space<hbm>> -> memref<79x128xi32, #tpu.memory_space<hbm>>
      tpu.wait_dma2 semaphore(%run_scoped3A : memref<!tpu.dma_semaphore, #tpu.memory_space<semaphore_mem>>) src(%dma_wait3A_28 : memref<79x128xi32, #tpu.memory_space<hbm>>) dst(%arg8 : memref<79x128xi32, #tpu.memory_space<vmem>>)
      tpu.yield
    }) : () -> ()
    %mul3A_1 = arith.constant 640 : i32
    %mul3A_2 = arith.muli %arg1, %mul3A_1 : i32
    %mul3A_3 = arith.constant 640 : i32
    %mul3A_4 = arith.muli %arg1, %mul3A_3 : i32
    "tpu.region"() ({
      %run_scoped3A = tpu.sem_alloc : memref<!tpu.dma_semaphore, #tpu.memory_space<semaphore_mem>>
      %dma_start3A = arith.constant 0 : i32
      %dma_start3A_15 = tpu.memref_slice %arg10[%mul3A_4, %dma_start3A] : memref<10240x128xf32, #tpu.memory_space<vmem_shared>> -> memref<640x128xf32, #tpu.memory_space<vmem_shared>>
      %dma_start3A_16 = arith.constant 0 : i32
      %dma_start3A_17 = tpu.memref_slice %arg5[%mul3A_2, %dma_start3A_16] : memref<10240x128xf32, #tpu.memory_space<hbm>> -> memref<640x128xf32, #tpu.memory_space<hbm>>
      tpu.enqueue_dma source(%dma_start3A_17 : memref<640x128xf32, #tpu.memory_space<hbm>>) target(%dma_start3A_15 : memref<640x128xf32, #tpu.memory_space<vmem_shared>>) target_semaphore(%run_scoped3A : memref<!tpu.dma_semaphore, #tpu.memory_space<semaphore_mem>>)
      %dma_wait3A = arith.constant 0 : i32
      %dma_wait3A_18 = tpu.memref_slice %arg10[%mul3A_4, %dma_wait3A] : memref<10240x128xf32, #tpu.memory_space<vmem_shared>> -> memref<640x128xf32, #tpu.memory_space<vmem_shared>>
      %dma_wait3A_19 = arith.constant 0 : i32
      %dma_wait3A_20 = tpu.memref_slice %arg5[%mul3A_2, %dma_wait3A_19] : memref<10240x128xf32, #tpu.memory_space<hbm>> -> memref<640x128xf32, #tpu.memory_space<hbm>>
      tpu.wait_dma2 semaphore(%run_scoped3A : memref<!tpu.dma_semaphore, #tpu.memory_space<semaphore_mem>>) src(%dma_wait3A_20 : memref<640x128xf32, #tpu.memory_space<hbm>>) dst(%dma_wait3A_18 : memref<640x128xf32, #tpu.memory_space<vmem_shared>>)
      tpu.yield
    }) : () -> ()
    %barrier3A = arith.constant 0 : index
    tpu.barrier barrier_id(%barrier3A)
    %scan3A = arith.constant 0 : i32
    %scan3A_5 = arith.constant 0 : i32
    %scan3A_6 = arith.constant 79 : i32
    %scan3A_7 = arith.addi %scan3A_5, %scan3A_6 : i32
    %scan3A_8 = arith.constant 1 : i32
    scf.for %scan3A_15 = %scan3A_5 to %scan3A_7 step %scan3A_8  : i32 {
      %dma_start3A = arith.constant 0 : i32
      %dma_start3A_16 = tpu.memref_slice %arg7[%scan3A_15, %dma_start3A] : memref<79x128xi32, #tpu.memory_space<vmem>> -> memref<1x128xi32, #tpu.memory_space<vmem>>
      %dma_start3A_17 = tpu.memref_squeeze %dma_start3A_16 : memref<1x128xi32, #tpu.memory_space<vmem>> -> memref<128xi32, #tpu.memory_space<vmem>>
      %dma_start3A_18 = arith.constant 0 : i32
      %dma_start3A_19 = arith.constant 0 : i32
      %dma_start3A_20 = tpu.memref_slice %arg2[%dma_start3A_18, %dma_start3A_19] : memref<10240x128xf32, #tpu.memory_space<hbm>> -> memref<10240x128xf32, #tpu.memory_space<hbm>>
      tpu.enqueue_indirect_dma source(%dma_start3A_20 : memref<10240x128xf32, #tpu.memory_space<hbm>>) target(%arg9 : memref<128x128xf32, #tpu.memory_space<vmem>>) offsets(%dma_start3A_17 : memref<128xi32, #tpu.memory_space<vmem>>) semaphore(%arg11 : memref<!tpu.dma_semaphore, #tpu.memory_space<semaphore_mem>>)
      %dma_wait3A = arith.constant 0 : i32
      %dma_wait3A_21 = tpu.memref_slice %arg7[%scan3A_15, %dma_wait3A] : memref<79x128xi32, #tpu.memory_space<vmem>> -> memref<1x128xi32, #tpu.memory_space<vmem>>
      %dma_wait3A_22 = tpu.memref_squeeze %dma_wait3A_21 : memref<1x128xi32, #tpu.memory_space<vmem>> -> memref<128xi32, #tpu.memory_space<vmem>>
      %dma_wait3A_23 = arith.constant 0 : i32
      %dma_wait3A_24 = arith.constant 0 : i32
      %dma_wait3A_25 = tpu.memref_slice %arg2[%dma_wait3A_23, %dma_wait3A_24] : memref<10240x128xf32, #tpu.memory_space<hbm>> -> memref<10240x128xf32, #tpu.memory_space<hbm>>
      tpu.wait_indirect_dma semaphore(%arg11 : memref<!tpu.dma_semaphore, #tpu.memory_space<semaphore_mem>>) src(%dma_wait3A_25 : memref<10240x128xf32, #tpu.memory_space<hbm>>) dst(%arg9 : memref<128x128xf32, #tpu.memory_space<vmem>>)
      "tpu.region"() ({
        %run_scoped3A = tpu.sem_alloc : memref<!tpu.dma_semaphore, #tpu.memory_space<semaphore_mem>>
        %dma_start3A_26 = arith.constant 0 : i32
        %dma_start3A_27 = tpu.memref_slice %arg8[%scan3A_15, %dma_start3A_26] : memref<79x128xi32, #tpu.memory_space<vmem>> -> memref<1x128xi32, #tpu.memory_space<vmem>>
        %dma_start3A_28 = tpu.memref_squeeze %dma_start3A_27 : memref<1x128xi32, #tpu.memory_space<vmem>> -> memref<128xi32, #tpu.memory_space<vmem>>
        %dma_start3A_29 = arith.constant 0 : i32
        %dma_start3A_30 = arith.constant 0 : i32
        %dma_start3A_31 = tpu.memref_slice %arg10[%dma_start3A_29, %dma_start3A_30] : memref<10240x128xf32, #tpu.memory_space<vmem_shared>> -> memref<10240x128xf32, #tpu.memory_space<vmem_shared>>
        tpu.enqueue_indirect_dma source(%arg9 : memref<128x128xf32, #tpu.memory_space<vmem>>) target(%dma_start3A_31 : memref<10240x128xf32, #tpu.memory_space<vmem_shared>>) offsets(%dma_start3A_28 : memref<128xi32, #tpu.memory_space<vmem>>) semaphore(%run_scoped3A : memref<!tpu.dma_semaphore, #tpu.memory_space<semaphore_mem>>) {add = true}
        %dma_wait3A_32 = arith.constant 0 : i32
        %dma_wait3A_33 = tpu.memref_slice %arg8[%scan3A_15, %dma_wait3A_32] : memref<79x128xi32, #tpu.memory_space<vmem>> -> memref<1x128xi32, #tpu.memory_space<vmem>>
        %dma_wait3A_34 = tpu.memref_squeeze %dma_wait3A_33 : memref<1x128xi32, #tpu.memory_space<vmem>> -> memref<128xi32, #tpu.memory_space<vmem>>
        %dma_wait3A_35 = arith.constant 0 : i32
        %dma_wait3A_36 = arith.constant 0 : i32
        %dma_wait3A_37 = tpu.memref_slice %arg10[%dma_wait3A_35, %dma_wait3A_36] : memref<10240x128xf32, #tpu.memory_space<vmem_shared>> -> memref<10240x128xf32, #tpu.memory_space<vmem_shared>>
        tpu.wait_indirect_dma semaphore(%run_scoped3A : memref<!tpu.dma_semaphore, #tpu.memory_space<semaphore_mem>>) src(%arg9 : memref<128x128xf32, #tpu.memory_space<vmem>>) dst(%dma_wait3A_37 : memref<10240x128xf32, #tpu.memory_space<vmem_shared>>)
        tpu.yield
      }) : () -> ()
    }
    %scan3A_9 = arith.constant 79 : i32
    %barrier3A_10 = arith.constant 0 : index
    tpu.barrier barrier_id(%barrier3A_10)
    %mul3A_11 = arith.constant 640 : i32
    %mul3A_12 = arith.muli %arg1, %mul3A_11 : i32
    %mul3A_13 = arith.constant 640 : i32
    %mul3A_14 = arith.muli %arg1, %mul3A_13 : i32
    "tpu.region"() ({
      %run_scoped3A = tpu.sem_alloc : memref<!tpu.dma_semaphore, #tpu.memory_space<semaphore_mem>>
      %dma_start3A = arith.constant 0 : i32
      %dma_start3A_15 = tpu.memref_slice %arg6[%arg0, %mul3A_14, %dma_start3A] : memref<2x10240x128xf32, #tpu.memory_space<hbm>> -> memref<1x640x128xf32, #tpu.memory_space<hbm>>
      %dma_start3A_16 = tpu.memref_squeeze %dma_start3A_15 : memref<1x640x128xf32, #tpu.memory_space<hbm>> -> memref<640x128xf32, #tpu.memory_space<hbm>>
      %dma_start3A_17 = arith.constant 0 : i32
      %dma_start3A_18 = tpu.memref_slice %arg10[%mul3A_12, %dma_start3A_17] : memref<10240x128xf32, #tpu.memory_space<vmem_shared>> -> memref<640x128xf32, #tpu.memory_space<vmem_shared>>
      tpu.enqueue_dma source(%dma_start3A_18 : memref<640x128xf32, #tpu.memory_space<vmem_shared>>) target(%dma_start3A_16 : memref<640x128xf32, #tpu.memory_space<hbm>>) target_semaphore(%run_scoped3A : memref<!tpu.dma_semaphore, #tpu.memory_space<semaphore_mem>>)
      %dma_wait3A = arith.constant 0 : i32
      %dma_wait3A_19 = tpu.memref_slice %arg6[%arg0, %mul3A_14, %dma_wait3A] : memref<2x10240x128xf32, #tpu.memory_space<hbm>> -> memref<1x640x128xf32, #tpu.memory_space<hbm>>
      %dma_wait3A_20 = tpu.memref_squeeze %dma_wait3A_19 : memref<1x640x128xf32, #tpu.memory_space<hbm>> -> memref<640x128xf32, #tpu.memory_space<hbm>>
      %dma_wait3A_21 = arith.constant 0 : i32
      %dma_wait3A_22 = tpu.memref_slice %arg10[%mul3A_12, %dma_wait3A_21] : memref<10240x128xf32, #tpu.memory_space<vmem_shared>> -> memref<640x128xf32, #tpu.memory_space<vmem_shared>>
      tpu.wait_dma2 semaphore(%run_scoped3A : memref<!tpu.dma_semaphore, #tpu.memory_space<semaphore_mem>>) src(%dma_wait3A_22 : memref<640x128xf32, #tpu.memory_space<vmem_shared>>) dst(%dma_wait3A_20 : memref<640x128xf32, #tpu.memory_space<hbm>>)
      tpu.yield
    }) : () -> ()
    return
  }
}

#map = affine_map<(d0, d1) -> (0, 0)>
#map1 = affine_map<(d0, d1) -> (0, 0, 0)>
module attributes {stable_mosaic.version = 14 : i64} {
  func.func @_spmm_body(%arg0: i32, %arg1: i32, %arg2: memref<10240x128xf32, #tpu.memory_space<hbm>>, %arg3: memref<32x79x128xi32, #tpu.memory_space<hbm>>, %arg4: memref<32x79x128xi32, #tpu.memory_space<hbm>>, %arg5: memref<10240x128xf32, #tpu.memory_space<hbm>>, %arg6: memref<2x10240x128xf32, #tpu.memory_space<hbm>>, %arg7: memref<79x128xi32, #tpu.memory_space<vmem>>, %arg8: memref<79x128xi32, #tpu.memory_space<vmem>>, %arg9: memref<128x128xf32, #tpu.memory_space<vmem>>, %arg10: memref<10240x128xf32, #tpu.memory_space<vmem_shared>>, %arg11: memref<!tpu.dma_semaphore, #tpu.memory_space<semaphore_mem>>) attributes {dimension_semantics = [#tpu.dimension_semantics<core_parallel>, #tpu.dimension_semantics<subcore_parallel>], iteration_bounds = array<i64: 2, 16>, scalar_prefetch = 0 : i64, scratch_operands = 5 : i64, tpu.core_type = #tpu.core_type<sc_vector_subcore>, window_params = [{transform_indices = #map}, {transform_indices = #map1}, {transform_indices = #map1}, {transform_indices = #map}, {transform_indices = #map1}]} {
    %mul3A = arith.constant 2 : i32
    %mul3A_0 = arith.muli %arg1, %mul3A : i32
    %add3A = arith.addi %mul3A_0, %arg0 : i32
    "tpu.region"() ({
      %run_scoped3A = tpu.sem_alloc : memref<!tpu.dma_semaphore, #tpu.memory_space<semaphore_mem>>
      %dma_start3A = arith.constant 0 : i32
      %dma_start3A_15 = arith.constant 0 : i32
      %dma_start3A_16 = tpu.memref_slice %arg3[%add3A, %dma_start3A, %dma_start3A_15] : memref<32x79x128xi32, #tpu.memory_space<hbm>> -> memref<1x79x128xi32, #tpu.memory_space<hbm>>
      %dma_start3A_17 = tpu.memref_squeeze %dma_start3A_16 : memref<1x79x128xi32, #tpu.memory_space<hbm>> -> memref<79x128xi32, #tpu.memory_space<hbm>>
      %dma_start3A_18 = arith.constant 0 : i32
      %dma_start3A_19 = arith.constant 0 : i32
      %dma_start3A_20 = tpu.memref_slice %arg3[%add3A, %dma_start3A_18, %dma_start3A_19] : memref<32x79x128xi32, #tpu.memory_space<hbm>> -> memref<1x79x128xi32, #tpu.memory_space<hbm>>
      %dma_start3A_21 = tpu.memref_squeeze %dma_start3A_20 : memref<1x79x128xi32, #tpu.memory_space<hbm>> -> memref<79x128xi32, #tpu.memory_space<hbm>>
      tpu.enqueue_dma source(%dma_start3A_21 : memref<79x128xi32, #tpu.memory_space<hbm>>) target(%arg7 : memref<79x128xi32, #tpu.memory_space<vmem>>) target_semaphore(%run_scoped3A : memref<!tpu.dma_semaphore, #tpu.memory_space<semaphore_mem>>)
      %dma_wait3A = arith.constant 0 : i32
      %dma_wait3A_22 = arith.constant 0 : i32
      %dma_wait3A_23 = tpu.memref_slice %arg3[%add3A, %dma_wait3A, %dma_wait3A_22] : memref<32x79x128xi32, #tpu.memory_space<hbm>> -> memref<1x79x128xi32, #tpu.memory_space<hbm>>
      %dma_wait3A_24 = tpu.memref_squeeze %dma_wait3A_23 : memref<1x79x128xi32, #tpu.memory_space<hbm>> -> memref<79x128xi32, #tpu.memory_space<hbm>>
      %dma_wait3A_25 = arith.constant 0 : i32
      %dma_wait3A_26 = arith.constant 0 : i32
      %dma_wait3A_27 = tpu.memref_slice %arg3[%add3A, %dma_wait3A_25, %dma_wait3A_26] : memref<32x79x128xi32, #tpu.memory_space<hbm>> -> memref<1x79x128xi32, #tpu.memory_space<hbm>>
      %dma_wait3A_28 = tpu.memref_squeeze %dma_wait3A_27 : memref<1x79x128xi32, #tpu.memory_space<hbm>> -> memref<79x128xi32, #tpu.memory_space<hbm>>
      tpu.wait_dma2 semaphore(%run_scoped3A : memref<!tpu.dma_semaphore, #tpu.memory_space<semaphore_mem>>) src(%dma_wait3A_28 : memref<79x128xi32, #tpu.memory_space<hbm>>) dst(%arg7 : memref<79x128xi32, #tpu.memory_space<vmem>>)
      tpu.yield
    }) : () -> ()
    "tpu.region"() ({
      %run_scoped3A = tpu.sem_alloc : memref<!tpu.dma_semaphore, #tpu.memory_space<semaphore_mem>>
      %dma_start3A = arith.constant 0 : i32
      %dma_start3A_15 = arith.constant 0 : i32
      %dma_start3A_16 = tpu.memref_slice %arg4[%add3A, %dma_start3A, %dma_start3A_15] : memref<32x79x128xi32, #tpu.memory_space<hbm>> -> memref<1x79x128xi32, #tpu.memory_space<hbm>>
      %dma_start3A_17 = tpu.memref_squeeze %dma_start3A_16 : memref<1x79x128xi32, #tpu.memory_space<hbm>> -> memref<79x128xi32, #tpu.memory_space<hbm>>
      %dma_start3A_18 = arith.constant 0 : i32
      %dma_start3A_19 = arith.constant 0 : i32
      %dma_start3A_20 = tpu.memref_slice %arg4[%add3A, %dma_start3A_18, %dma_start3A_19] : memref<32x79x128xi32, #tpu.memory_space<hbm>> -> memref<1x79x128xi32, #tpu.memory_space<hbm>>
      %dma_start3A_21 = tpu.memref_squeeze %dma_start3A_20 : memref<1x79x128xi32, #tpu.memory_space<hbm>> -> memref<79x128xi32, #tpu.memory_space<hbm>>
      tpu.enqueue_dma source(%dma_start3A_21 : memref<79x128xi32, #tpu.memory_space<hbm>>) target(%arg8 : memref<79x128xi32, #tpu.memory_space<vmem>>) target_semaphore(%run_scoped3A : memref<!tpu.dma_semaphore, #tpu.memory_space<semaphore_mem>>)
      %dma_wait3A = arith.constant 0 : i32
      %dma_wait3A_22 = arith.constant 0 : i32
      %dma_wait3A_23 = tpu.memref_slice %arg4[%add3A, %dma_wait3A, %dma_wait3A_22] : memref<32x79x128xi32, #tpu.memory_space<hbm>> -> memref<1x79x128xi32, #tpu.memory_space<hbm>>
      %dma_wait3A_24 = tpu.memref_squeeze %dma_wait3A_23 : memref<1x79x128xi32, #tpu.memory_space<hbm>> -> memref<79x128xi32, #tpu.memory_space<hbm>>
      %dma_wait3A_25 = arith.constant 0 : i32
      %dma_wait3A_26 = arith.constant 0 : i32
      %dma_wait3A_27 = tpu.memref_slice %arg4[%add3A, %dma_wait3A_25, %dma_wait3A_26] : memref<32x79x128xi32, #tpu.memory_space<hbm>> -> memref<1x79x128xi32, #tpu.memory_space<hbm>>
      %dma_wait3A_28 = tpu.memref_squeeze %dma_wait3A_27 : memref<1x79x128xi32, #tpu.memory_space<hbm>> -> memref<79x128xi32, #tpu.memory_space<hbm>>
      tpu.wait_dma2 semaphore(%run_scoped3A : memref<!tpu.dma_semaphore, #tpu.memory_space<semaphore_mem>>) src(%dma_wait3A_28 : memref<79x128xi32, #tpu.memory_space<hbm>>) dst(%arg8 : memref<79x128xi32, #tpu.memory_space<vmem>>)
      tpu.yield
    }) : () -> ()
    %mul3A_1 = arith.constant 640 : i32
    %mul3A_2 = arith.muli %arg1, %mul3A_1 : i32
    %mul3A_3 = arith.constant 640 : i32
    %mul3A_4 = arith.muli %arg1, %mul3A_3 : i32
    "tpu.region"() ({
      %run_scoped3A = tpu.sem_alloc : memref<!tpu.dma_semaphore, #tpu.memory_space<semaphore_mem>>
      %dma_start3A = arith.constant 0 : i32
      %dma_start3A_15 = tpu.memref_slice %arg10[%mul3A_4, %dma_start3A] : memref<10240x128xf32, #tpu.memory_space<vmem_shared>> -> memref<640x128xf32, #tpu.memory_space<vmem_shared>>
      %dma_start3A_16 = arith.constant 0 : i32
      %dma_start3A_17 = tpu.memref_slice %arg5[%mul3A_2, %dma_start3A_16] : memref<10240x128xf32, #tpu.memory_space<hbm>> -> memref<640x128xf32, #tpu.memory_space<hbm>>
      tpu.enqueue_dma source(%dma_start3A_17 : memref<640x128xf32, #tpu.memory_space<hbm>>) target(%dma_start3A_15 : memref<640x128xf32, #tpu.memory_space<vmem_shared>>) target_semaphore(%run_scoped3A : memref<!tpu.dma_semaphore, #tpu.memory_space<semaphore_mem>>)
      %dma_wait3A = arith.constant 0 : i32
      %dma_wait3A_18 = tpu.memref_slice %arg10[%mul3A_4, %dma_wait3A] : memref<10240x128xf32, #tpu.memory_space<vmem_shared>> -> memref<640x128xf32, #tpu.memory_space<vmem_shared>>
      %dma_wait3A_19 = arith.constant 0 : i32
      %dma_wait3A_20 = tpu.memref_slice %arg5[%mul3A_2, %dma_wait3A_19] : memref<10240x128xf32, #tpu.memory_space<hbm>> -> memref<640x128xf32, #tpu.memory_space<hbm>>
      tpu.wait_dma2 semaphore(%run_scoped3A : memref<!tpu.dma_semaphore, #tpu.memory_space<semaphore_mem>>) src(%dma_wait3A_20 : memref<640x128xf32, #tpu.memory_space<hbm>>) dst(%dma_wait3A_18 : memref<640x128xf32, #tpu.memory_space<vmem_shared>>)
      tpu.yield
    }) : () -> ()
    %barrier3A = arith.constant 0 : index
    tpu.barrier barrier_id(%barrier3A)
    %scan3A = arith.constant 0 : i32
    %scan3A_5 = arith.constant 0 : i32
    %scan3A_6 = arith.constant 79 : i32
    %scan3A_7 = arith.addi %scan3A_5, %scan3A_6 : i32
    %scan3A_8 = arith.constant 1 : i32
    scf.for %scan3A_15 = %scan3A_5 to %scan3A_7 step %scan3A_8  : i32 {
      %dma_start3A = arith.constant 0 : i32
      %dma_start3A_16 = tpu.memref_slice %arg7[%scan3A_15, %dma_start3A] : memref<79x128xi32, #tpu.memory_space<vmem>> -> memref<1x128xi32, #tpu.memory_space<vmem>>
      %dma_start3A_17 = tpu.memref_squeeze %dma_start3A_16 : memref<1x128xi32, #tpu.memory_space<vmem>> -> memref<128xi32, #tpu.memory_space<vmem>>
      %dma_start3A_18 = arith.constant 0 : i32
      %dma_start3A_19 = arith.constant 0 : i32
      %dma_start3A_20 = tpu.memref_slice %arg2[%dma_start3A_18, %dma_start3A_19] : memref<10240x128xf32, #tpu.memory_space<hbm>> -> memref<10240x128xf32, #tpu.memory_space<hbm>>
      tpu.enqueue_indirect_dma source(%dma_start3A_20 : memref<10240x128xf32, #tpu.memory_space<hbm>>) target(%arg9 : memref<128x128xf32, #tpu.memory_space<vmem>>) offsets(%dma_start3A_17 : memref<128xi32, #tpu.memory_space<vmem>>) semaphore(%arg11 : memref<!tpu.dma_semaphore, #tpu.memory_space<semaphore_mem>>)
      %dma_wait3A = arith.constant 0 : i32
      %dma_wait3A_21 = tpu.memref_slice %arg7[%scan3A_15, %dma_wait3A] : memref<79x128xi32, #tpu.memory_space<vmem>> -> memref<1x128xi32, #tpu.memory_space<vmem>>
      %dma_wait3A_22 = tpu.memref_squeeze %dma_wait3A_21 : memref<1x128xi32, #tpu.memory_space<vmem>> -> memref<128xi32, #tpu.memory_space<vmem>>
      %dma_wait3A_23 = arith.constant 0 : i32
      %dma_wait3A_24 = arith.constant 0 : i32
      %dma_wait3A_25 = tpu.memref_slice %arg2[%dma_wait3A_23, %dma_wait3A_24] : memref<10240x128xf32, #tpu.memory_space<hbm>> -> memref<10240x128xf32, #tpu.memory_space<hbm>>
      tpu.wait_indirect_dma semaphore(%arg11 : memref<!tpu.dma_semaphore, #tpu.memory_space<semaphore_mem>>) src(%dma_wait3A_25 : memref<10240x128xf32, #tpu.memory_space<hbm>>) dst(%arg9 : memref<128x128xf32, #tpu.memory_space<vmem>>)
      "tpu.region"() ({
        %run_scoped3A = tpu.sem_alloc : memref<!tpu.dma_semaphore, #tpu.memory_space<semaphore_mem>>
        %dma_start3A_26 = arith.constant 0 : i32
        %dma_start3A_27 = tpu.memref_slice %arg8[%scan3A_15, %dma_start3A_26] : memref<79x128xi32, #tpu.memory_space<vmem>> -> memref<1x128xi32, #tpu.memory_space<vmem>>
        %dma_start3A_28 = tpu.memref_squeeze %dma_start3A_27 : memref<1x128xi32, #tpu.memory_space<vmem>> -> memref<128xi32, #tpu.memory_space<vmem>>
        %dma_start3A_29 = arith.constant 0 : i32
        %dma_start3A_30 = arith.constant 0 : i32
        %dma_start3A_31 = tpu.memref_slice %arg10[%dma_start3A_29, %dma_start3A_30] : memref<10240x128xf32, #tpu.memory_space<vmem_shared>> -> memref<10240x128xf32, #tpu.memory_space<vmem_shared>>
        tpu.enqueue_indirect_dma source(%arg9 : memref<128x128xf32, #tpu.memory_space<vmem>>) target(%dma_start3A_31 : memref<10240x128xf32, #tpu.memory_space<vmem_shared>>) offsets(%dma_start3A_28 : memref<128xi32, #tpu.memory_space<vmem>>) semaphore(%run_scoped3A : memref<!tpu.dma_semaphore, #tpu.memory_space<semaphore_mem>>) {add = true}
        %dma_wait3A_32 = arith.constant 0 : i32
        %dma_wait3A_33 = tpu.memref_slice %arg8[%scan3A_15, %dma_wait3A_32] : memref<79x128xi32, #tpu.memory_space<vmem>> -> memref<1x128xi32, #tpu.memory_space<vmem>>
        %dma_wait3A_34 = tpu.memref_squeeze %dma_wait3A_33 : memref<1x128xi32, #tpu.memory_space<vmem>> -> memref<128xi32, #tpu.memory_space<vmem>>
        %dma_wait3A_35 = arith.constant 0 : i32
        %dma_wait3A_36 = arith.constant 0 : i32
        %dma_wait3A_37 = tpu.memref_slice %arg10[%dma_wait3A_35, %dma_wait3A_36] : memref<10240x128xf32, #tpu.memory_space<vmem_shared>> -> memref<10240x128xf32, #tpu.memory_space<vmem_shared>>
        tpu.wait_indirect_dma semaphore(%run_scoped3A : memref<!tpu.dma_semaphore, #tpu.memory_space<semaphore_mem>>) src(%arg9 : memref<128x128xf32, #tpu.memory_space<vmem>>) dst(%dma_wait3A_37 : memref<10240x128xf32, #tpu.memory_space<vmem_shared>>)
        tpu.yield
      }) : () -> ()
    }
    %scan3A_9 = arith.constant 79 : i32
    %barrier3A_10 = arith.constant 0 : index
    tpu.barrier barrier_id(%barrier3A_10)
    %mul3A_11 = arith.constant 640 : i32
    %mul3A_12 = arith.muli %arg1, %mul3A_11 : i32
    %mul3A_13 = arith.constant 640 : i32
    %mul3A_14 = arith.muli %arg1, %mul3A_13 : i32
    "tpu.region"() ({
      %run_scoped3A = tpu.sem_alloc : memref<!tpu.dma_semaphore, #tpu.memory_space<semaphore_mem>>
      %dma_start3A = arith.constant 0 : i32
      %dma_start3A_15 = tpu.memref_slice %arg6[%arg0, %mul3A_14, %dma_start3A] : memref<2x10240x128xf32, #tpu.memory_space<hbm>> -> memref<1x640x128xf32, #tpu.memory_space<hbm>>
      %dma_start3A_16 = tpu.memref_squeeze %dma_start3A_15 : memref<1x640x128xf32, #tpu.memory_space<hbm>> -> memref<640x128xf32, #tpu.memory_space<hbm>>
      %dma_start3A_17 = arith.constant 0 : i32
      %dma_start3A_18 = tpu.memref_slice %arg10[%mul3A_12, %dma_start3A_17] : memref<10240x128xf32, #tpu.memory_space<vmem_shared>> -> memref<640x128xf32, #tpu.memory_space<vmem_shared>>
      tpu.enqueue_dma source(%dma_start3A_18 : memref<640x128xf32, #tpu.memory_space<vmem_shared>>) target(%dma_start3A_16 : memref<640x128xf32, #tpu.memory_space<hbm>>) target_semaphore(%run_scoped3A : memref<!tpu.dma_semaphore, #tpu.memory_space<semaphore_mem>>)
      %dma_wait3A = arith.constant 0 : i32
      %dma_wait3A_19 = tpu.memref_slice %arg6[%arg0, %mul3A_14, %dma_wait3A] : memref<2x10240x128xf32, #tpu.memory_space<hbm>> -> memref<1x640x128xf32, #tpu.memory_space<hbm>>
      %dma_wait3A_20 = tpu.memref_squeeze %dma_wait3A_19 : memref<1x640x128xf32, #tpu.memory_space<hbm>> -> memref<640x128xf32, #tpu.memory_space<hbm>>
      %dma_wait3A_21 = arith.constant 0 : i32
      %dma_wait3A_22 = tpu.memref_slice %arg10[%mul3A_12, %dma_wait3A_21] : memref<10240x128xf32, #tpu.memory_space<vmem_shared>> -> memref<640x128xf32, #tpu.memory_space<vmem_shared>>
      tpu.wait_dma2 semaphore(%run_scoped3A : memref<!tpu.dma_semaphore, #tpu.memory_space<semaphore_mem>>) src(%dma_wait3A_22 : memref<640x128xf32, #tpu.memory_space<vmem_shared>>) dst(%dma_wait3A_20 : memref<640x128xf32, #tpu.memory_space<hbm>>)
      tpu.yield
    }) : () -> ()
    return
  }
}

module attributes {stable_mosaic.version = 14 : i64} {
  func.func @_h1_body(%arg0: i32, %arg1: memref<1024x128xf32, #tpu.memory_space<vmem>>, %arg2: memref<128x128xf32, #tpu.memory_space<vmem>>, %arg3: memref<1024x128xf32, #tpu.memory_space<vmem>>) attributes {dimension_semantics = [#tpu.dimension_semantics<arbitrary>], iteration_bounds = array<i64: 10>, scalar_prefetch = 0 : i64, scratch_operands = 0 : i64, tpu.core_type = #tpu.core_type<tc>, window_params = [{transform_indices = @transform_0, window_bounds = array<i64: 1024, 128>}, {pipeline_mode = #tpu.pipeline_mode<synchronous>, transform_indices = @transform_1, window_bounds = array<i64: 128, 128>}, {transform_indices = @transform_2, window_bounds = array<i64: 1024, 128>}]} {
    %get3A = arith.constant 0 : index
    %get3A_0 = arith.constant 0 : index
    %get3A_1 = vector.load %arg1[%get3A, %get3A_0] : memref<1024x128xf32, #tpu.memory_space<vmem>>, vector<1024x128xf32>
    %get3A_2 = arith.constant 0 : index
    %get3A_3 = arith.constant 0 : index
    %get3A_4 = vector.load %arg2[%get3A_2, %get3A_3] : memref<128x128xf32, #tpu.memory_space<vmem>>, vector<128x128xf32>
    %dot_general3A = arith.constant dense<0.000000e+00> : vector<1024x128xf32>
    %dot_general3A_5 = tpu.matmul %get3A_1, %get3A_4, %dot_general3A {dimension_numbers = #tpu.dot_dimension_numbers<[1], [0], [0], [1], [0, 0, 1, 1], [], []>, transpose_lhs_hint = false} : vector<1024x128xf32>, vector<128x128xf32>, vector<1024x128xf32> -> vector<1024x128xf32>
    %swap3A = arith.constant 0 : index
    %swap3A_6 = arith.constant 0 : index
    %swap3A_7 = vector.load %arg3[%swap3A, %swap3A_6] : memref<1024x128xf32, #tpu.memory_space<vmem>>, vector<1024x128xf32>
    tpu.vector_store %arg3[%swap3A, %swap3A_6], %dot_general3A_5 {strides = array<i32>} : memref<1024x128xf32, #tpu.memory_space<vmem>>, vector<1024x128xf32>,
    return
  }
  func.func @transform_0(%arg0: i32) -> (i32, i32) {
    %c0_i32 = arith.constant 0 : i32
    %c0_i32_0 = arith.constant 0 : i32
    return %arg0, %c0_i32 : i32, i32
  }
  func.func @transform_1(%arg0: i32) -> (i32, i32) {
    %c0_i32 = arith.constant 0 : i32
    %c0_i32_0 = arith.constant 0 : i32
    %c0_i32_1 = arith.constant 0 : i32
    return %c0_i32, %c0_i32_0 : i32, i32
  }
  func.func @transform_2(%arg0: i32) -> (i32, i32) {
    %c0_i32 = arith.constant 0 : i32
    %c0_i32_0 = arith.constant 0 : i32
    return %arg0, %c0_i32 : i32, i32
  }
}

module attributes {stable_mosaic.version = 14 : i64} {
  func.func @_pre_body(%arg0: i32, %arg1: memref<2x1024x128xf32, #tpu.memory_space<vmem>>, %arg2: memref<1024x128xf32, #tpu.memory_space<vmem>>, %arg3: memref<1024x1xf32, #tpu.memory_space<vmem>>, %arg4: memref<1024x128xf32, #tpu.memory_space<vmem>>) attributes {dimension_semantics = [#tpu.dimension_semantics<arbitrary>], iteration_bounds = array<i64: 10>, scalar_prefetch = 0 : i64, scratch_operands = 0 : i64, tpu.core_type = #tpu.core_type<tc>, window_params = [{transform_indices = @transform_0, window_bounds = array<i64: 2, 1024, 128>}, {transform_indices = @transform_1, window_bounds = array<i64: 1024, 128>}, {transform_indices = @transform_2, window_bounds = array<i64: 1024, 1>}, {transform_indices = @transform_3, window_bounds = array<i64: 1024, 128>}]} {
    %get3A = arith.constant 0 : index
    %get3A_0 = arith.constant 0 : index
    %get3A_1 = arith.constant 0 : index
    %get3A_2 = vector.load %arg1[%get3A, %get3A_0, %get3A_1] : memref<2x1024x128xf32, #tpu.memory_space<vmem>>, vector<2x1024x128xf32>
    %slice3A = vector.extract_strided_slice %get3A_2 {offsets = [0, 0, 0], sizes = [1, 1024, 1], strides = [1, 1, 1]} : vector<2x1024x128xf32> to vector<1x1024x1xf32>
    %squeeze3A = vector.shape_cast %slice3A : vector<1x1024x1xf32> to vector<1024x1xf32>
    %slice3A_3 = vector.extract_strided_slice %get3A_2 {offsets = [1, 0, 0], sizes = [1, 1024, 1], strides = [1, 1, 1]} : vector<2x1024x128xf32> to vector<1x1024x1xf32>
    %squeeze3A_4 = vector.shape_cast %slice3A_3 : vector<1x1024x1xf32> to vector<1024x1xf32>
    %add3A = arith.addf %squeeze3A, %squeeze3A_4 : vector<1024x1xf32>
    %add3A_5 = arith.constant 1.000000e+00 : f32
    %add3A_6 = vector.broadcast %add3A_5 : f32 to vector<1024x1xf32>
    %add3A_7 = arith.addf %add3A, %add3A_6 : vector<1024x1xf32>
    %rsqrt3A = math.rsqrt %add3A_7 : vector<1024x1xf32>
    %swap3A = arith.constant 0 : index
    %swap3A_8 = arith.constant 0 : index
    %swap3A_9 = vector.load %arg3[%swap3A, %swap3A_8] : memref<1024x1xf32, #tpu.memory_space<vmem>>, vector<1024x1xf32>
    tpu.vector_store %arg3[%swap3A, %swap3A_8], %rsqrt3A {strides = array<i32>} : memref<1024x1xf32, #tpu.memory_space<vmem>>, vector<1024x1xf32>,
    %get3A_10 = arith.constant 0 : index
    %get3A_11 = arith.constant 0 : index
    %get3A_12 = vector.load %arg2[%get3A_10, %get3A_11] : memref<1024x128xf32, #tpu.memory_space<vmem>>, vector<1024x128xf32>
    %mul3A = vector.broadcast %rsqrt3A : vector<1024x1xf32> to vector<1024x128xf32>
    %mul3A_13 = arith.mulf %get3A_12, %mul3A : vector<1024x128xf32>
    %swap3A_14 = arith.constant 0 : index
    %swap3A_15 = arith.constant 0 : index
    %swap3A_16 = vector.load %arg4[%swap3A_14, %swap3A_15] : memref<1024x128xf32, #tpu.memory_space<vmem>>, vector<1024x128xf32>
    tpu.vector_store %arg4[%swap3A_14, %swap3A_15], %mul3A_13 {strides = array<i32>} : memref<1024x128xf32, #tpu.memory_space<vmem>>, vector<1024x128xf32>,
    return
  }
  func.func @transform_0(%arg0: i32) -> (i32, i32, i32) {
    %c0_i32 = arith.constant 0 : i32
    %c0_i32_0 = arith.constant 0 : i32
    %c0_i32_1 = arith.constant 0 : i32
    return %c0_i32, %arg0, %c0_i32_0 : i32, i32, i32
  }
  func.func @transform_1(%arg0: i32) -> (i32, i32) {
    %c0_i32 = arith.constant 0 : i32
    %c0_i32_0 = arith.constant 0 : i32
    return %arg0, %c0_i32 : i32, i32
  }
  func.func @transform_2(%arg0: i32) -> (i32, i32) {
    %c0_i32 = arith.constant 0 : i32
    %c0_i32_0 = arith.constant 0 : i32
    return %arg0, %c0_i32 : i32, i32
  }
  func.func @transform_3(%arg0: i32) -> (i32, i32) {
    %c0_i32 = arith.constant 0 : i32
    %c0_i32_0 = arith.constant 0 : i32
    return %arg0, %c0_i32 : i32, i32
  }
}

module attributes {stable_mosaic.version = 14 : i64} {
  func.func @_mid_body(%arg0: i32, %arg1: memref<2x1024x128xf32, #tpu.memory_space<vmem>>, %arg2: memref<1024x128xf32, #tpu.memory_space<vmem>>, %arg3: memref<1024x1xf32, #tpu.memory_space<vmem>>, %arg4: memref<1x128xf32, #tpu.memory_space<vmem>>, %arg5: memref<1x128xf32, #tpu.memory_space<vmem>>, %arg6: memref<1x128xf32, #tpu.memory_space<vmem>>, %arg7: memref<1x128xf32, #tpu.memory_space<vmem>>, %arg8: memref<1x128xf32, #tpu.memory_space<vmem>>, %arg9: memref<128x128xf32, #tpu.memory_space<vmem>>, %arg10: memref<1024x128xf32, #tpu.memory_space<vmem>>) attributes {dimension_semantics = [#tpu.dimension_semantics<arbitrary>], iteration_bounds = array<i64: 10>, scalar_prefetch = 0 : i64, scratch_operands = 0 : i64, tpu.core_type = #tpu.core_type<tc>, window_params = [{transform_indices = @transform_0, window_bounds = array<i64: 2, 1024, 128>}, {transform_indices = @transform_1, window_bounds = array<i64: 1024, 128>}, {transform_indices = @transform_2, window_bounds = array<i64: 1024, 1>}, {pipeline_mode = #tpu.pipeline_mode<synchronous>, transform_indices = @transform_3, window_bounds = array<i64: 1, 128>}, {pipeline_mode = #tpu.pipeline_mode<synchronous>, transform_indices = @transform_4, window_bounds = array<i64: 1, 128>}, {pipeline_mode = #tpu.pipeline_mode<synchronous>, transform_indices = @transform_5, window_bounds = array<i64: 1, 128>}, {pipeline_mode = #tpu.pipeline_mode<synchronous>, transform_indices = @transform_6, window_bounds = array<i64: 1, 128>}, {pipeline_mode = #tpu.pipeline_mode<synchronous>, transform_indices = @transform_7, window_bounds = array<i64: 1, 128>}, {pipeline_mode = #tpu.pipeline_mode<synchronous>, transform_indices = @transform_8, window_bounds = array<i64: 128, 128>}, {transform_indices = @transform_9, window_bounds = array<i64: 1024, 128>}]} {
    %get3A = arith.constant 0 : index
    %get3A_0 = arith.constant 0 : index
    %get3A_1 = arith.constant 0 : index
    %get3A_2 = vector.load %arg1[%get3A, %get3A_0, %get3A_1] : memref<2x1024x128xf32, #tpu.memory_space<vmem>>, vector<2x1024x128xf32>
    %slice3A = vector.extract_strided_slice %get3A_2 {offsets = [0, 0, 0], sizes = [1, 1024, 128], strides = [1, 1, 1]} : vector<2x1024x128xf32> to vector<1x1024x128xf32>
    %squeeze3A = vector.shape_cast %slice3A : vector<1x1024x128xf32> to vector<1024x128xf32>
    %slice3A_3 = vector.extract_strided_slice %get3A_2 {offsets = [1, 0, 0], sizes = [1, 1024, 128], strides = [1, 1, 1]} : vector<2x1024x128xf32> to vector<1x1024x128xf32>
    %squeeze3A_4 = vector.shape_cast %slice3A_3 : vector<1x1024x128xf32> to vector<1024x128xf32>
    %add3A = arith.addf %squeeze3A, %squeeze3A_4 : vector<1024x128xf32>
    %get3A_5 = arith.constant 0 : index
    %get3A_6 = arith.constant 0 : index
    %get3A_7 = vector.load %arg2[%get3A_5, %get3A_6] : memref<1024x128xf32, #tpu.memory_space<vmem>>, vector<1024x128xf32>
    %add3A_8 = arith.addf %add3A, %get3A_7 : vector<1024x128xf32>
    %get3A_9 = arith.constant 0 : index
    %get3A_10 = arith.constant 0 : index
    %get3A_11 = vector.load %arg3[%get3A_9, %get3A_10] : memref<1024x1xf32, #tpu.memory_space<vmem>>, vector<1024x1xf32>
    %mul3A = vector.broadcast %get3A_11 : vector<1024x1xf32> to vector<1024x128xf32>
    %mul3A_12 = arith.mulf %add3A_8, %mul3A : vector<1024x128xf32>
    %get3A_13 = arith.constant 0 : index
    %get3A_14 = arith.constant 0 : index
    %get3A_15 = vector.load %arg4[%get3A_13, %get3A_14] : memref<1x128xf32, #tpu.memory_space<vmem>>, vector<1x128xf32>
    %add3A_16 = vector.broadcast %get3A_15 : vector<1x128xf32> to vector<1024x128xf32>
    %add3A_17 = arith.addf %mul3A_12, %add3A_16 : vector<1024x128xf32>
    %get3A_18 = arith.constant 0 : index
    %get3A_19 = arith.constant 0 : index
    %get3A_20 = vector.load %arg5[%get3A_18, %get3A_19] : memref<1x128xf32, #tpu.memory_space<vmem>>, vector<1x128xf32>
    %get3A_21 = arith.constant 0 : index
    %get3A_22 = arith.constant 0 : index
    %get3A_23 = vector.load %arg8[%get3A_21, %get3A_22] : memref<1x128xf32, #tpu.memory_space<vmem>>, vector<1x128xf32>
    %add3A_24 = arith.constant 9.99999974E-6 : f32
    %add3A_25 = vector.broadcast %add3A_24 : f32 to vector<1x128xf32>
    %add3A_26 = arith.addf %get3A_23, %add3A_25 : vector<1x128xf32>
    %rsqrt3A = math.rsqrt %add3A_26 : vector<1x128xf32>
    %mul3A_27 = arith.mulf %get3A_20, %rsqrt3A : vector<1x128xf32>
    %get3A_28 = arith.constant 0 : index
    %get3A_29 = arith.constant 0 : index
    %get3A_30 = vector.load %arg7[%get3A_28, %get3A_29] : memref<1x128xf32, #tpu.memory_space<vmem>>, vector<1x128xf32>
    %sub3A = vector.broadcast %get3A_30 : vector<1x128xf32> to vector<1024x128xf32>
    %sub3A_31 = arith.subf %add3A_17, %sub3A : vector<1024x128xf32>
    %mul3A_32 = vector.broadcast %mul3A_27 : vector<1x128xf32> to vector<1024x128xf32>
    %mul3A_33 = arith.mulf %sub3A_31, %mul3A_32 : vector<1024x128xf32>
    %get3A_34 = arith.constant 0 : index
    %get3A_35 = arith.constant 0 : index
    %get3A_36 = vector.load %arg6[%get3A_34, %get3A_35] : memref<1x128xf32, #tpu.memory_space<vmem>>, vector<1x128xf32>
    %add3A_37 = vector.broadcast %get3A_36 : vector<1x128xf32> to vector<1024x128xf32>
    %add3A_38 = arith.addf %mul3A_33, %add3A_37 : vector<1024x128xf32>
    %max3A = arith.constant 0.000000e+00 : f32
    %max3A_39 = vector.broadcast %max3A : f32 to vector<1024x128xf32>
    %max3A_40 = arith.maximumf %add3A_38, %max3A_39 : vector<1024x128xf32>
    %mul3A_41 = vector.broadcast %get3A_11 : vector<1024x1xf32> to vector<1024x128xf32>
    %mul3A_42 = arith.mulf %max3A_40, %mul3A_41 : vector<1024x128xf32>
    %get3A_43 = arith.constant 0 : index
    %get3A_44 = arith.constant 0 : index
    %get3A_45 = vector.load %arg9[%get3A_43, %get3A_44] : memref<128x128xf32, #tpu.memory_space<vmem>>, vector<128x128xf32>
    %dot_general3A = arith.constant dense<0.000000e+00> : vector<1024x128xf32>
    %dot_general3A_46 = tpu.matmul %mul3A_42, %get3A_45, %dot_general3A {dimension_numbers = #tpu.dot_dimension_numbers<[1], [0], [0], [1], [0, 0, 1, 1], [], []>, transpose_lhs_hint = false} : vector<1024x128xf32>, vector<128x128xf32>, vector<1024x128xf32> -> vector<1024x128xf32>
    %swap3A = arith.constant 0 : index
    %swap3A_47 = arith.constant 0 : index
    %swap3A_48 = vector.load %arg10[%swap3A, %swap3A_47] : memref<1024x128xf32, #tpu.memory_space<vmem>>, vector<1024x128xf32>
    tpu.vector_store %arg10[%swap3A, %swap3A_47], %dot_general3A_46 {strides = array<i32>} : memref<1024x128xf32, #tpu.memory_space<vmem>>, vector<1024x128xf32>,
    return
  }
  func.func @transform_0(%arg0: i32) -> (i32, i32, i32) {
    %c0_i32 = arith.constant 0 : i32
    %c0_i32_0 = arith.constant 0 : i32
    %c0_i32_1 = arith.constant 0 : i32
    return %c0_i32, %arg0, %c0_i32_0 : i32, i32, i32
  }
  func.func @transform_1(%arg0: i32) -> (i32, i32) {
    %c0_i32 = arith.constant 0 : i32
    %c0_i32_0 = arith.constant 0 : i32
    return %arg0, %c0_i32 : i32, i32
  }
  func.func @transform_2(%arg0: i32) -> (i32, i32) {
    %c0_i32 = arith.constant 0 : i32
    %c0_i32_0 = arith.constant 0 : i32
    return %arg0, %c0_i32 : i32, i32
  }
  func.func @transform_3(%arg0: i32) -> (i32, i32) {
    %c0_i32 = arith.constant 0 : i32
    %c0_i32_0 = arith.constant 0 : i32
    %c0_i32_1 = arith.constant 0 : i32
    return %c0_i32, %c0_i32_0 : i32, i32
  }
  func.func @transform_4(%arg0: i32) -> (i32, i32) {
    %c0_i32 = arith.constant 0 : i32
    %c0_i32_0 = arith.constant 0 : i32
    %c0_i32_1 = arith.constant 0 : i32
    return %c0_i32, %c0_i32_0 : i32, i32
  }
  func.func @transform_5(%arg0: i32) -> (i32, i32) {
    %c0_i32 = arith.constant 0 : i32
    %c0_i32_0 = arith.constant 0 : i32
    %c0_i32_1 = arith.constant 0 : i32
    return %c0_i32, %c0_i32_0 : i32, i32
  }
  func.func @transform_6(%arg0: i32) -> (i32, i32) {
    %c0_i32 = arith.constant 0 : i32
    %c0_i32_0 = arith.constant 0 : i32
    %c0_i32_1 = arith.constant 0 : i32
    return %c0_i32, %c0_i32_0 : i32, i32
  }
  func.func @transform_7(%arg0: i32) -> (i32, i32) {
    %c0_i32 = arith.constant 0 : i32
    %c0_i32_0 = arith.constant 0 : i32
    %c0_i32_1 = arith.constant 0 : i32
    return %c0_i32, %c0_i32_0 : i32, i32
  }
  func.func @transform_8(%arg0: i32) -> (i32, i32) {
    %c0_i32 = arith.constant 0 : i32
    %c0_i32_0 = arith.constant 0 : i32
    %c0_i32_1 = arith.constant 0 : i32
    return %c0_i32, %c0_i32_0 : i32, i32
  }
  func.func @transform_9(%arg0: i32) -> (i32, i32) {
    %c0_i32 = arith.constant 0 : i32
    %c0_i32_0 = arith.constant 0 : i32
    return %arg0, %c0_i32 : i32, i32
  }
}

module attributes {stable_mosaic.version = 14 : i64} {
  func.func @_fin_body(%arg0: i32, %arg1: memref<2x1024x128xf32, #tpu.memory_space<vmem>>, %arg2: memref<1024x128xf32, #tpu.memory_space<vmem>>, %arg3: memref<1024x1xf32, #tpu.memory_space<vmem>>, %arg4: memref<1x128xf32, #tpu.memory_space<vmem>>, %arg5: memref<1x128xf32, #tpu.memory_space<vmem>>, %arg6: memref<1x128xf32, #tpu.memory_space<vmem>>, %arg7: memref<1x128xf32, #tpu.memory_space<vmem>>, %arg8: memref<1x128xf32, #tpu.memory_space<vmem>>, %arg9: memref<128x2xf32, #tpu.memory_space<vmem>>, %arg10: memref<1x2xf32, #tpu.memory_space<vmem>>, %arg11: memref<1024x2xf32, #tpu.memory_space<vmem>>) attributes {dimension_semantics = [#tpu.dimension_semantics<arbitrary>], iteration_bounds = array<i64: 10>, scalar_prefetch = 0 : i64, scratch_operands = 0 : i64, tpu.core_type = #tpu.core_type<tc>, window_params = [{transform_indices = @transform_0, window_bounds = array<i64: 2, 1024, 128>}, {transform_indices = @transform_1, window_bounds = array<i64: 1024, 128>}, {transform_indices = @transform_2, window_bounds = array<i64: 1024, 1>}, {pipeline_mode = #tpu.pipeline_mode<synchronous>, transform_indices = @transform_3, window_bounds = array<i64: 1, 128>}, {pipeline_mode = #tpu.pipeline_mode<synchronous>, transform_indices = @transform_4, window_bounds = array<i64: 1, 128>}, {pipeline_mode = #tpu.pipeline_mode<synchronous>, transform_indices = @transform_5, window_bounds = array<i64: 1, 128>}, {pipeline_mode = #tpu.pipeline_mode<synchronous>, transform_indices = @transform_6, window_bounds = array<i64: 1, 128>}, {pipeline_mode = #tpu.pipeline_mode<synchronous>, transform_indices = @transform_7, window_bounds = array<i64: 1, 128>}, {pipeline_mode = #tpu.pipeline_mode<synchronous>, transform_indices = @transform_8, window_bounds = array<i64: 128, 2>}, {pipeline_mode = #tpu.pipeline_mode<synchronous>, transform_indices = @transform_9, window_bounds = array<i64: 1, 2>}, {transform_indices = @transform_10, window_bounds = array<i64: 1024, 2>}]} {
    %get3A = arith.constant 0 : index
    %get3A_0 = arith.constant 0 : index
    %get3A_1 = arith.constant 0 : index
    %get3A_2 = vector.load %arg1[%get3A, %get3A_0, %get3A_1] : memref<2x1024x128xf32, #tpu.memory_space<vmem>>, vector<2x1024x128xf32>
    %slice3A = vector.extract_strided_slice %get3A_2 {offsets = [0, 0, 0], sizes = [1, 1024, 128], strides = [1, 1, 1]} : vector<2x1024x128xf32> to vector<1x1024x128xf32>
    %squeeze3A = vector.shape_cast %slice3A : vector<1x1024x128xf32> to vector<1024x128xf32>
    %slice3A_3 = vector.extract_strided_slice %get3A_2 {offsets = [1, 0, 0], sizes = [1, 1024, 128], strides = [1, 1, 1]} : vector<2x1024x128xf32> to vector<1x1024x128xf32>
    %squeeze3A_4 = vector.shape_cast %slice3A_3 : vector<1x1024x128xf32> to vector<1024x128xf32>
    %add3A = arith.addf %squeeze3A, %squeeze3A_4 : vector<1024x128xf32>
    %get3A_5 = arith.constant 0 : index
    %get3A_6 = arith.constant 0 : index
    %get3A_7 = vector.load %arg2[%get3A_5, %get3A_6] : memref<1024x128xf32, #tpu.memory_space<vmem>>, vector<1024x128xf32>
    %add3A_8 = arith.addf %add3A, %get3A_7 : vector<1024x128xf32>
    %get3A_9 = arith.constant 0 : index
    %get3A_10 = arith.constant 0 : index
    %get3A_11 = vector.load %arg3[%get3A_9, %get3A_10] : memref<1024x1xf32, #tpu.memory_space<vmem>>, vector<1024x1xf32>
    %mul3A = vector.broadcast %get3A_11 : vector<1024x1xf32> to vector<1024x128xf32>
    %mul3A_12 = arith.mulf %add3A_8, %mul3A : vector<1024x128xf32>
    %get3A_13 = arith.constant 0 : index
    %get3A_14 = arith.constant 0 : index
    %get3A_15 = vector.load %arg4[%get3A_13, %get3A_14] : memref<1x128xf32, #tpu.memory_space<vmem>>, vector<1x128xf32>
    %add3A_16 = vector.broadcast %get3A_15 : vector<1x128xf32> to vector<1024x128xf32>
    %add3A_17 = arith.addf %mul3A_12, %add3A_16 : vector<1024x128xf32>
    %get3A_18 = arith.constant 0 : index
    %get3A_19 = arith.constant 0 : index
    %get3A_20 = vector.load %arg5[%get3A_18, %get3A_19] : memref<1x128xf32, #tpu.memory_space<vmem>>, vector<1x128xf32>
    %get3A_21 = arith.constant 0 : index
    %get3A_22 = arith.constant 0 : index
    %get3A_23 = vector.load %arg8[%get3A_21, %get3A_22] : memref<1x128xf32, #tpu.memory_space<vmem>>, vector<1x128xf32>
    %add3A_24 = arith.constant 9.99999974E-6 : f32
    %add3A_25 = vector.broadcast %add3A_24 : f32 to vector<1x128xf32>
    %add3A_26 = arith.addf %get3A_23, %add3A_25 : vector<1x128xf32>
    %rsqrt3A = math.rsqrt %add3A_26 : vector<1x128xf32>
    %mul3A_27 = arith.mulf %get3A_20, %rsqrt3A : vector<1x128xf32>
    %get3A_28 = arith.constant 0 : index
    %get3A_29 = arith.constant 0 : index
    %get3A_30 = vector.load %arg7[%get3A_28, %get3A_29] : memref<1x128xf32, #tpu.memory_space<vmem>>, vector<1x128xf32>
    %sub3A = vector.broadcast %get3A_30 : vector<1x128xf32> to vector<1024x128xf32>
    %sub3A_31 = arith.subf %add3A_17, %sub3A : vector<1024x128xf32>
    %mul3A_32 = vector.broadcast %mul3A_27 : vector<1x128xf32> to vector<1024x128xf32>
    %mul3A_33 = arith.mulf %sub3A_31, %mul3A_32 : vector<1024x128xf32>
    %get3A_34 = arith.constant 0 : index
    %get3A_35 = arith.constant 0 : index
    %get3A_36 = vector.load %arg6[%get3A_34, %get3A_35] : memref<1x128xf32, #tpu.memory_space<vmem>>, vector<1x128xf32>
    %add3A_37 = vector.broadcast %get3A_36 : vector<1x128xf32> to vector<1024x128xf32>
    %add3A_38 = arith.addf %mul3A_33, %add3A_37 : vector<1024x128xf32>
    %max3A = arith.constant 0.000000e+00 : f32
    %max3A_39 = vector.broadcast %max3A : f32 to vector<1024x128xf32>
    %max3A_40 = arith.maximumf %add3A_38, %max3A_39 : vector<1024x128xf32>
    %get3A_41 = arith.constant 0 : index
    %get3A_42 = arith.constant 0 : index
    %get3A_43 = vector.load %arg9[%get3A_41, %get3A_42] : memref<128x2xf32, #tpu.memory_space<vmem>>, vector<128x2xf32>
    %dot_general3A = arith.constant dense<0.000000e+00> : vector<1024x2xf32>
    %dot_general3A_44 = tpu.matmul %max3A_40, %get3A_43, %dot_general3A {dimension_numbers = #tpu.dot_dimension_numbers<[1], [0], [0], [1], [0, 0, 1, 1], [], []>, transpose_lhs_hint = false} : vector<1024x128xf32>, vector<128x2xf32>, vector<1024x2xf32> -> vector<1024x2xf32>
    %get3A_45 = arith.constant 0 : index
    %get3A_46 = arith.constant 0 : index
    %get3A_47 = vector.load %arg10[%get3A_45, %get3A_46] : memref<1x2xf32, #tpu.memory_space<vmem>>, vector<1x2xf32>
    %add3A_48 = vector.broadcast %get3A_47 : vector<1x2xf32> to vector<1024x2xf32>
    %add3A_49 = arith.addf %dot_general3A_44, %add3A_48 : vector<1024x2xf32>
    %reduce_max3A = arith.constant dense<0xFF800000> : vector<1024xf32>
    %reduce_max3A_50 = vector.multi_reduction <maximumf>, %add3A_49, %reduce_max3A [1] : vector<1024x2xf32> to vector<1024xf32>
    %broadcast_in_dim3A = vector.shape_cast %reduce_max3A_50 : vector<1024xf32> to vector<1024x1xf32>
    %sub3A_51 = vector.broadcast %broadcast_in_dim3A : vector<1024x1xf32> to vector<1024x2xf32>
    %sub3A_52 = arith.subf %add3A_49, %sub3A_51 : vector<1024x2xf32>
    %exp3A = math.exp %sub3A_52 : vector<1024x2xf32>
    %reduce_sum3A = arith.constant dense<0.000000e+00> : vector<1024xf32>
    %reduce_sum3A_53 = vector.multi_reduction <add>, %exp3A, %reduce_sum3A [1] : vector<1024x2xf32> to vector<1024xf32>
    %broadcast_in_dim3A_54 = vector.shape_cast %reduce_sum3A_53 : vector<1024xf32> to vector<1024x1xf32>
    %log3A = math.log %broadcast_in_dim3A_54 : vector<1024x1xf32>
    %add3A_55 = arith.addf %broadcast_in_dim3A, %log3A : vector<1024x1xf32>
    %sub3A_56 = vector.broadcast %add3A_55 : vector<1024x1xf32> to vector<1024x2xf32>
    %sub3A_57 = arith.subf %add3A_49, %sub3A_56 : vector<1024x2xf32>
    %swap3A = arith.constant 0 : index
    %swap3A_58 = arith.constant 0 : index
    %swap3A_59 = vector.load %arg11[%swap3A, %swap3A_58] : memref<1024x2xf32, #tpu.memory_space<vmem>>, vector<1024x2xf32>
    tpu.vector_store %arg11[%swap3A, %swap3A_58], %sub3A_57 {strides = array<i32>} : memref<1024x2xf32, #tpu.memory_space<vmem>>, vector<1024x2xf32>,
    return
  }
  func.func @transform_0(%arg0: i32) -> (i32, i32, i32) {
    %c0_i32 = arith.constant 0 : i32
    %c0_i32_0 = arith.constant 0 : i32
    %c0_i32_1 = arith.constant 0 : i32
    return %c0_i32, %arg0, %c0_i32_0 : i32, i32, i32
  }
  func.func @transform_1(%arg0: i32) -> (i32, i32) {
    %c0_i32 = arith.constant 0 : i32
    %c0_i32_0 = arith.constant 0 : i32
    return %arg0, %c0_i32 : i32, i32
  }
  func.func @transform_2(%arg0: i32) -> (i32, i32) {
    %c0_i32 = arith.constant 0 : i32
    %c0_i32_0 = arith.constant 0 : i32
    return %arg0, %c0_i32 : i32, i32
  }
  func.func @transform_3(%arg0: i32) -> (i32, i32) {
    %c0_i32 = arith.constant 0 : i32
    %c0_i32_0 = arith.constant 0 : i32
    %c0_i32_1 = arith.constant 0 : i32
    return %c0_i32, %c0_i32_0 : i32, i32
  }
  func.func @transform_4(%arg0: i32) -> (i32, i32) {
    %c0_i32 = arith.constant 0 : i32
    %c0_i32_0 = arith.constant 0 : i32
    %c0_i32_1 = arith.constant 0 : i32
    return %c0_i32, %c0_i32_0 : i32, i32
  }
  func.func @transform_5(%arg0: i32) -> (i32, i32) {
    %c0_i32 = arith.constant 0 : i32
    %c0_i32_0 = arith.constant 0 : i32
    %c0_i32_1 = arith.constant 0 : i32
    return %c0_i32, %c0_i32_0 : i32, i32
  }
  func.func @transform_6(%arg0: i32) -> (i32, i32) {
    %c0_i32 = arith.constant 0 : i32
    %c0_i32_0 = arith.constant 0 : i32
    %c0_i32_1 = arith.constant 0 : i32
    return %c0_i32, %c0_i32_0 : i32, i32
  }
  func.func @transform_7(%arg0: i32) -> (i32, i32) {
    %c0_i32 = arith.constant 0 : i32
    %c0_i32_0 = arith.constant 0 : i32
    %c0_i32_1 = arith.constant 0 : i32
    return %c0_i32, %c0_i32_0 : i32, i32
  }
  func.func @transform_8(%arg0: i32) -> (i32, i32) {
    %c0_i32 = arith.constant 0 : i32
    %c0_i32_0 = arith.constant 0 : i32
    %c0_i32_1 = arith.constant 0 : i32
    return %c0_i32, %c0_i32_0 : i32, i32
  }
  func.func @transform_9(%arg0: i32) -> (i32, i32) {
    %c0_i32 = arith.constant 0 : i32
    %c0_i32_0 = arith.constant 0 : i32
    %c0_i32_1 = arith.constant 0 : i32
    return %c0_i32, %c0_i32_0 : i32, i32
  }
  func.func @transform_10(%arg0: i32) -> (i32, i32) {
    %c0_i32 = arith.constant 0 : i32
    %c0_i32_0 = arith.constant 0 : i32
    return %arg0, %c0_i32 : i32, i32
  }
}

</mosaic_0001>

<sc_bundles>
// kernel: kernel.11.cloned.1.call-start
scs
__scs_entry_jumppad:
0x0: {  	(pc) =	sbr.rel $0x88, $3  }
0x1: {  	(tag) =	ssettag $0x0;
	lr =	simm.s32 $0x1  }
0x2: {  	[smem:$0x3F8B] =	sst lr;
	_ =	strace $0xD0000000  }
0x3: {  	_ = 	snop  }
0x4: {  	_ = 	snop  }
0x5: {  	_ = 	snop  }
0x6: {  	_ = 	snop  }
0x7: {  	_ = 	snop  }
__scs_overlays_trampoline_lowered:
0x8: {  	[smem:$0x3F9A] =	sst s0  }
0x9: {  	[smem:$0x3F9B] =	sst s1  }
0xa: {  	[smem:$0x3F9C] =	sst s2  }
0xb: {  	[smem:$0x3F9D] =	sst s3  }
0xc: {  	[smem:$0x3F9E] =	sst s4  }
0xd: {  	[smem:$0x3F9F] =	sst s5  }
0xe: {  	[smem:$0x3FA0] =	sst s6  }
0xf: {  	[smem:$0x3FA1] =	sst s7  }
0x10: {  	[smem:$0x3FA2] =	sst s8  }
0x11: {  	[smem:$0x3FA3] =	sst s9;
	s0 =	simm.s32 @!p0 $0x0  }
0x12: {  	s1 =	sld [smem:$0x3F89];
	s0 =	simm.s32 @p0 $0x1  }
0x13: {  	[smem:$0x3FA4] =	sst s0;
	s0 =	simm.s32 @!p1 $0x0  }
0x14: {  	s2 =	sld [smem:$0x3F88];
	s0 =	simm.s32 @p1 $0x1  }
0x15: {  	[smem:$0x3FA5] =	sst s0;
	s0 =	simm.s32 @!p2 $0x0  }
0x16: {  	s3 =	sld [smem:$0x3FDB];
	s0 =	simm.s32 @p2 $0x1  }
0x17: {  	s4 =	simm.s32 $0x1BF5;
	[smem:$0x3FA7] =	sst s0  }
0x18: {  	s0 =	sld [smem:$0x3F8A];
	_ =	swait.ge [sflag:s4], $0x0  }
0x19: {  	s7 =	sld [smem:$0x3F8B]  }
0x1a: {  	s8 =	sadd.s32 $0xFFFFE003, lr  }
0x1b: {  	s9 =	sadd.s32 $0xFFFFFEF7, lr;
	s5 =	simm.s32 $0xFFFFFFFF;
	p2 =	slt.u32 s8, $0xFFFFF086  }
0x1c: {  	p1 =	slt.u32 s9, $0xF7A;
	s5 =	simm.s32 @!p2 $0x0  }
0x1d: {  	s5 =	simm.s32 @p1 $0x1;
	p0 =	seq.s32 s7, s2  }
0x1e: {  	s7 =	smul.u32 @!p0 $0xF7A, s2;
	p2 =	seq.s32 @!p0 s5, $0x0  }
0x1f: {  	s9 =	smul.u32 $0xF7A, s1;
	s8 =	simm.s32 @!p0 $0x1BF5;
	p2 =	por !p2, p0  }
0x20: {  	[sflag:s8] =	ssyncset.s32 @!p0 $0xFFFFF086;
	s6 =	sadd.s32 @!p0 s3, s7;
	s7 =	simm.s32 @!p0 $0x108  }
0x21: {  	s3 =	sadd.s32 s3, s9;
	s6 =	sadd.s32 @!p0 $0x88, s6;
	s7 =	simm.s32 @p2 $0x1082  }
0x22: {  	[simem:s7], [sflag:s8] =	dma.local @!p0 [hbm:s6], $0xF7A  }
0x23: {  	s9 =	sor.u32 $0xD0000000, s2;
	s6 =	simm.s32 $0x108;
	_ =	swait.ge @!p0 [sflag:s8], $0x0  }
0x24: {  	s3 =	sadd.s32 $0x88, s3;
	s6 =	simm.s32 @!p1 $0x1082;
	[sflag:s4] =	ssyncset.s32 $0xFFFFF086  }
0x25: {  	[simem:s6], [sflag:s4] =	dma.local [hbm:s3], $0xF7A  }
0x26: {  	[smem:$0x3F8B] =	sst s1;
	(tag) =	ssettag s2;
	_ =	strace s9  }
0x27: {  	s1 =	sld [smem:$0x3F9B]  }
0x28: {  	s2 =	sld [smem:$0x3F9C]  }
0x29: {  	s4 =	sld [smem:$0x3F9E]  }
0x2a: {  	p0 =	seq.s32 s5, $0x0;
	s5 =	sld [smem:$0x3F9F]  }
0x2b: {  	s6 =	sld [smem:$0x3FA0]  }
0x2c: {  	s7 =	sld [smem:$0x3FA1]  }
0x2d: {  	s3 =	simm.s32 $0x108;
	s8 =	sld [smem:$0x3FA2]  }
0x2e: {  	s3 =	simm.s32 @!p0 $0x1082;
	s9 =	sld [smem:$0x3FA3]  }
0x2f: {  	lr =	sadd.s32 s0, s3;
	s0 =	sld [smem:$0x3F9A]  }
0x30: {  	s3 =	sld [smem:$0x3F9D]  }
0x31: {  	[smem:$0x3FA6] =	sst s10  }
0x32: {  	s10 =	sld [smem:$0x3FA4];
	_ =	sdelay $0x3  }
0x33: {  	p0 =	seq.s32 s10, $0x1;
	s10 =	sld [smem:$0x3FA6];
	_ =	sdelay $0x3  }
0x34: {  	[smem:$0x3FA6] =	sst s10  }
0x35: {  	s10 =	sld [smem:$0x3FA5];
	_ =	sdelay $0x3  }
0x36: {  	p1 =	seq.s32 s10, $0x1;
	s10 =	sld [smem:$0x3FA6];
	_ =	sdelay $0x3  }
0x37: {  	[smem:$0x3FA6] =	sst s10  }
0x38: {  	s10 =	sld [smem:$0x3FA7]  }
0x39: {  	_ = 	snop;
	(pc) =	sbr.ind lr, $3  }
0x3a: {  	_ = 	snop  }
0x3b: {  	_ = 	snop  }
0x3c: {  	p2 =	seq.s32 s10, $0x1;
	s10 =	sld [smem:$0x3FA6]  }
0x3d: {  	_ =	shalt  }
0x3e: {  	_ =	shalt  }
0x3f: {  	_ =	shalt  }
0x40: {  	_ =	shalt  }
0x41: {  	_ =	shalt  }
0x42: {  	_ =	shalt  }
0x43: {  	_ =	shalt  }
0x44: {  	_ =	shalt  }
0x45: {  	_ =	shalt  }
0x46: {  	_ =	shalt  }
0x47: {  	_ =	shalt  }
0x48: {  	_ =	shalt  }
0x49: {  	_ =	shalt  }
0x4a: {  	_ =	shalt  }
0x4b: {  	_ =	shalt  }
0x4c: {  	_ =	shalt  }
0x4d: {  	_ =	shalt  }
0x4e: {  	_ =	shalt  }
0x4f: {  	_ =	shalt  }
0x50: {  	_ =	shalt  }
0x51: {  	_ =	shalt  }
0x52: {  	_ =	shalt  }
0x53: {  	_ =	shalt  }
0x54: {  	_ =	shalt  }
0x55: {  	_ =	shalt  }
0x56: {  	_ =	shalt  }
0x57: {  	_ =	shalt  }
0x58: {  	_ =	shalt  }
0x59: {  	_ =	shalt  }
0x5a: {  	_ =	shalt  }
0x5b: {  	_ =	shalt  }
0x5c: {  	_ =	shalt  }
0x5d: {  	_ =	shalt  }
0x5e: {  	_ =	shalt  }
0x5f: {  	_ =	shalt  }
0x60: {  	_ =	shalt  }
0x61: {  	_ =	shalt  }
0x62: {  	_ =	shalt  }
0x63: {  	_ =	shalt  }
0x64: {  	_ =	shalt  }
0x65: {  	_ =	shalt  }
0x66: {  	_ =	shalt  }
0x67: {  	_ =	shalt  }
0x68: {  	_ =	shalt  }
0x69: {  	_ =	shalt  }
0x6a: {  	_ =	shalt  }
0x6b: {  	_ =	shalt  }
0x6c: {  	_ =	shalt  }
0x6d: {  	_ =	shalt  }
0x6e: {  	_ =	shalt  }
0x6f: {  	_ =	shalt  }
0x70: {  	_ =	shalt  }
0x71: {  	_ =	shalt  }
0x72: {  	_ =	shalt  }
0x73: {  	_ =	shalt  }
0x74: {  	_ =	shalt  }
0x75: {  	_ =	shalt  }
0x76: {  	_ =	shalt  }
0x77: {  	_ =	shalt  }
0x78: {  	_ =	shalt  }
0x79: {  	_ =	shalt  }
0x7a: {  	_ =	shalt  }
0x7b: {  	_ =	shalt  }
0x7c: {  	_ =	shalt  }
0x7d: {  	_ =	shalt  }
0x7e: {  	_ =	shalt  }
0x7f: {  	_ =	shalt  }
0x80: {  	_ =	shalt  }
0x81: {  	_ =	shalt  }
0x82: {  	_ =	shalt  }
0x83: {  	_ =	shalt  }
0x84: {  	_ =	shalt  }
0x85: {  	_ =	shalt  }
0x86: {  	_ =	shalt  }
0x87: {  	_ =	shalt  }
.Lfunc_end0:
.L_simem_size_0:
called_computation_lowered:
.L_overlay_start_0:
0x88: {  	s2 =	sld [smem:$0x3FD9]  }
0x89: {  	s3 =	sld [smem:$0x3FFE];
	_ =	sdelay $0x1  }
0x8a: {  	s1 =	srdreg.scid  }
0x8b: {  	s0 =	sand.u32 $0x1, s1  }
0x8c: {  	s17 =	sshll.u32 s0, $0xA;
	s2 =	sadd.s32 s3, s2  }
0x8d: {  	s2 =	sadd.s32 s2, s17  }
0x8e: {  	[smem:$0x3FB2] =	sst s2  }
0x8f: {  	_ = 	snop  }
0x90: {  	s2 =	sld [smem:$0x3FD0];
	(tm) =	ssettm $0x1  }
0x91: {  	s18 =	sld [smem:$0x3FFB];
	_ =	sdelay $0x3  }
0x92: {  	_ =	strace s18  }
0x93: {  	s3 =	sld [smem:$0x3FFC];
	_ =	sdelay $0x3  }
0x94: {  	_ =	strace s3  }
0x95: {  	s3 =	sld [smem:$0x3FFD];
	_ =	sdelay $0x3  }
0x96: {  	_ =	strace s3  }
0x97: {  	_ =	strace $0x8FFFFFFF  }
0x98: {  	s19 =	sld [smem:$0x3FDB];
	_ =	sdelay $0x1  }
0x99: {  	s4 =	simm.s32 $_scs_section_size  }
0x9a: {  	s5 =	simm.s32 $_size__tile_overlayer_lowered;
	s6 =	simm.s32 $_tile_overlayer_lowered  }
0x9b: {  	s22 =	simm.s32 $0x1BFF;
	s21 =	sshll.u32 s6, $0x1;
	s3 =	sadd.s32 s4, s19  }
0x9c: {  	s7 =	simm.s32 $0x0;
	s20 =	sshll.u32 s5, $0x1;
	s5 =	sadd.s32 s21, s3  }
0x9d: {  	[timem:s7], [sflag:s22] =	dma.local [hbm:s5], s20  }
0x9e: {  	_ =	swait.ge [sflag:s22], s20  }
0x9f: {  	s4 =	ssub.s32 $0x0, s20;
	[sflag:s22] =	ssyncset.done $0x0  }
0xa0: {  	[sflag:s22] =	ssyncadd.s32 s4;
	_ =	sdelay $0x1  }
0xa1: {  	s23 =	simm.s32 $0x1B8B  }
0xa2: {  	_ =	swait.ge [sflag:s23], $0x1  }
0xa3: {  	[sflag:s23] =	ssyncset.done $0x0  }
0xa4: {  	s25 =	simm.s32 $0x1B8E;
	s24 =	sld [smem:$0x3FFE];
	[sflag:s23] =	ssyncadd.s32 $0xFFFFFFFF  }
0xa5: {  	s26 =	simm.s32 $execute0_lowered;
	[smem:$0x3FD2] =	sst s25  }
0xa6: {  	s5 =	sshll.u32 s26, $0x1;
	_ =	strace $0x80000046;
	[dreg:$0x1] =	wrdreg $0xFFFFFFFF  }
0xa7: {  	s28 =	simm.s32 $_size_execute0_lowered;
	s3 =	sadd.s32 s3, s5;
	[dreg:$0x0] =	wrdreg $0x0  }
0xa8: {  	s5 =	sshll.u32 s28, $0x1;
	[dreg:$0x2] =	wrdreg s3  }
0xa9: {  	[dreg:$0x3] =	wrdreg s5  }
0xaa: {  	[dreg:$0x4] =	wrdreg $0xC0  }
0xab: {  	_ =	task [dreg:s7], $0x5FFFF  }
0xac: {  	[dreg:$0x1] =	wrdreg $0xFFFFFFFF  }
0xad: {  	[dreg:$0x0] =	wrdreg $0x60  }
0xae: {  	[dreg:$0x2] =	wrdreg s24  }
0xaf: {  	[dreg:$0x3] =	wrdreg s2  }
0xb0: {  	[dreg:$0x4] =	wrdreg $0x68000  }
0xb1: {  	[dreg:$0x5] =	wrdreg $0x9  }
0xb2: {  	_ =	task.clear_ibuf [dreg:s7], $0x6FFFF;
	_ =	strace $0x90000046  }
0xb3: {  	s29 =	simm.s32 $0x9;
	_ =	strace $0x80000048  }
0xb4: {  	_ =	swait.ge [sflag:s29], $0x1  }
0xb5: {  	[sflag:s29] =	ssyncadd.s32 $0xFFFFFFFF  }
0xb6: {  	_ =	strace $0x90000048  }
0xb7: {  	_ =	sfence  }
0xb8: {  	s30 =	sld [smem:$0x0];
	_ =	sdelay $0x2  }
0xb9: {  	s31 =	sshll.u32 s1, $0xD;
	s1 =	sshrl.u32 s1, $0x2  }
0xba: {  	s3 =	sand.u32 $0x4000, s31;
	s1 =	sadd.s32 s1, s30  }
0xbb: {  	s0 =	sor.u32 s3, s0;
	s1 =	sshll.u32 s1, $0x11  }
0xbc: {  	s0 =	sor.u32 s1, s0  }
0xbd: {  	s0 =	sadd.s32 $0x8F2B, s0  }
0xbe: {  	[sflag:s0] =	ssyncadd.remote.s32 $0x1  }
0xbf: {  	_ =	sfence.sel $0xFFFF  }
0xc0: {  	[dreg:$0x0] =	wrdreg $0xFFFFFFFF;
	(pc) =	sbr.abs _section_cstart, $3  }
0xc1: {  	[dreg:$0x1] =	wrdreg $0xFFFFFFFF  }
0xc2: {  	_ =	task.clear_ibuf [dreg:s7], $0x2FFFF;
	_ =	strace $0x9FFFFFFF  }
0xc3: {  	(tm) =	ssettm $0x7FFFFFFF  }
tec
execute0_lowered:
.L_overlay_start_1:
0x0: {  	(tag) =	ssettag $0x1  }
0x1: {  	s5 =	rddreg [dreg:$0x0]  }
0x2: {  	s1 =	srdreg.scid;
	s2 =	rddreg [dreg:$0x1]  }
0x3: {  	s0 =	stileid.u32;
	s3 =	rddreg [dreg:$0x2]  }
0x4: {  	s4 =	simm.s32 $0x0;
	s13 =	simm.s32 $0x80;
	s14 =	simm.s32 $0x0  }
0x5: {  	s6 =	sand.u32 $0x1, s1;
	s28 =	sshll.u32 s0, $0x1;
	s8 =	smul.u32 $0x14000, s0  }
0x6: {  	[smem:$0x7FF] =	sst s4;
	s29 =	smul.u32 $0x50000, s0;
	s31 =	sshll.u32 s0, $0x6  }
0x7: {  	s1 =	sor.u32 s6, s28;
	s9 =	smul.u32 $0x140000, s6;
	s6 =	ssub.s32 $0x2, s6  }
0x8: {  	s7 =	smul.u32 $0x500, s1;
	s1 =	rddreg [dreg:$0x3];
	_ =	strace $0x80000047  }
0x9: {  	s10 =	sshrl.u32 s8, $0x3;
	s11 =	sshrl.u32 s6, $0x1;
	s30 =	sshrl.u32 s29, $0x2  }
0xa: {  	s8 =	sadd.s32 s8, s9;
	s10 =	sadd.s32 s10, s5;
	s11 =	ssub.s32 s6, s11  }
0xb: {  	s12 =	sadd.s32 s30, s3;
	s9 =	simm.s32 $0x1;
	s7 =	sadd.s32 s7, s5  }
0xc: {  	s8 =	sshrl.u32 s8, $0x3;
	s6 =	sadd.s32 $0xF800, s10;
	s10 =	simm.s32 $0x2800  }
0xd: {  	s12 =	sshrl.u32 s12, $0x3;
	s8 =	sadd.s32 s8, s5;
	s5 =	sadd.s32 $0x5800, s7  }
0xe: {  	s7 =	sadd.s32 $0x37800, s8;
	s8 =	smax.u32 s11, $0x1;
	s11 =	sor.u32 $0x1C01, s31  }
.LBB2_1:
0xf: {  	[tilespmem:s4], [sflag:$0x1] =	stream.linear.gather [hbm4b:s5+s4], $0x2780, $0x38;
	[tilespmem:$0x1A800] =	vst v63  }
0x10: {  	_ =	swait.ge [sflag:s9], $0x2780  }
0x11: {  	[sflag:s9] =	ssyncset.done $0x0  }
0x12: {  	[sflag:s9] =	ssyncadd.s32 $0xFFFFD880  }
0x13: {  	[tilespmem:s10], [sflag:$0x1] =	stream.linear.gather [hbm4b:s2+s4], $0x4000, $0x38;
	[tilespmem:$0x1A800] =	vst v63  }
0x14: {  	_ =	swait.ge [sflag:s9], $0x4000  }
0x15: {  	[sflag:s9] =	ssyncset.done $0x0  }
0x16: {  	[sflag:s9] =	ssyncadd.s32 $0xFFFFC000  }
0x17: {  	[spmem:s12], [sflag:s11] =	dma.local [hbm:s6], $0x2800  }
0x18: {  	_ =	swait.ge [sflag:s9], $0x2800  }
0x19: {  	[sflag:s9] =	ssyncset.done $0x0  }
0x1a: {  	[sflag:s9] =	ssyncadd.s32 $0xFFFFD800  }
0x1b: {  	s15 =	simm.s32 $0x0;
	[bflag:$0x0] =	sbarrier.arrive $0xFFFF  }
0x1c: {  	[spmem:s3] =	stream.indirect.scatter.add.f32 [tilespmem:s10], [sflag:$0x1], $0x80, s15, s13, $0xb8;
	[tilespmem:$0x1A800] =	vst v63  }
0x1d: {  	_ =	swait.ge [sflag:s9], $0x4000  }
0x1e: {  	s15 =	simm.s32 $0x200;
	[sflag:s9] =	ssyncset.done $0x0  }
.LBB2_2:
0x1f: {  	s16 =	sshra.s32 s15, $0x2;
	[sflag:s9] =	ssyncadd.s32 $0xFFFFC000;
	p0 =	sne.s32 s15, $0x9C00  }
0x20: {  	[spmem:s3] =	stream.indirect.scatter.add.f32 [tilespmem:s10], [sflag:$0x1], $0x80, s16, s13, $0xb8;
	[tilespmem:$0x1A800] =	vst v63  }
.Ltmp0:
0x21: {  	_ = 	snop;
	(pc) =	sbr.rel @p0 .LBB2_2-.Ltmp0, $4  }
0x22: {  	_ = 	snop  }
0x23: {  	s15 =	sadd.s32 $0x200, s15  }
0x24: {  	_ =	swait.ge [sflag:s9], $0x4000  }
0x25: {  	[sflag:s9] =	ssyncset.done $0x0  }
0x26: {  	s14 =	sadd.s32 $0x1, s14  }
0x27: {  	[sflag:s9] =	ssyncadd.s32 $0xFFFFC000;
	p0 =	sne.s32 s14, s8  }
.Ltmp1:
0x28: {  	[bflag:$0x0] =	sbarrier.arrive $0xFFFF;
	(pc) =	sbr.rel @p0 .LBB2_1-.Ltmp1, $4  }
0x29: {  	[hbm:s7], [sflag:s11] =	dma.local [spmem:s12], $0x2800  }
0x2a: {  	_ =	swait.ge [sflag:s9], $0x2800  }
0x2b: {  	[sflag:s9] =	ssyncset.done $0x0  }
0x2c: {  	[sflag:s9] =	ssyncadd.s32 $0xFFFFD800  }
0x2d: {  	_ =	sfence.sel $0x180000  }
0x2e: {  	[bflag:$0x0] =	sbarrier.arrive $0xFFFF  }
0x2f: {  	p0 =	sne.s32 s0, $0x0;
	_ =	strace $0x90000047  }
0x30: {  	s0 =	sadd.s32 @!p0 $0x100000, s1;
	[bflag:$0x2] =	sbarrier.arrive $0xFFFF  }
0x31: {  	[sflag:s0] =	ssyncadd.tile.s32 @!p0 $0x1;
	_ =	shalt  }
.Lfunc_end2:
_tile_overlayer_lowered:
.L_overlay_start_2:
0x32: {  	(tag) =	ssettag $0x2  }
0x33: {  	s0 =	rddreg [dreg:$0x0];
	s2 =	stileid.u32  }
0x34: {  	s1 =	rddreg [dreg:$0x1];
	p0 =	sne.s32 s2, $0x0  }
0x35: {  	s3 =	rddreg [dreg:$0x2];
	[bflag:$0x3] =	sbarrier.arrive $0xFFFF;
	s2 =	simm.s32 @!p0 $0x1C01  }
0x36: {  	[timem:s3], [sflag:s2] =	dma.local @!p0 [hbm:s0], s1  }
0x37: {  	s0 =	simm.s32 @!p0 $0x1  }
0x38: {  	_ =	swait.ge @!p0 [sflag:s0], s1  }
0x39: {  	s1 =	ssub.s32 @!p0 $0x0, s1;
	[sflag:s0] =	ssyncset.done @!p0 $0x0  }
0x3a: {  	[sflag:s0] =	ssyncadd.s32 @!p0 s1  }
0x3b: {  	[bflag:$0x3] =	sbarrier.arrive $0xFFFF  }
0x3c: {  	_ =	shalt  }

// kernel: kernel.14.cloned.1.call-start
scs
__scs_entry_jumppad:
0x0: {  	(pc) =	sbr.rel $0x88, $3  }
0x1: {  	(tag) =	ssettag $0x0;
	lr =	simm.s32 $0x1  }
0x2: {  	[smem:$0x3F8B] =	sst lr;
	_ =	strace $0xD0000000  }
0x3: {  	_ = 	snop  }
0x4: {  	_ = 	snop  }
0x5: {  	_ = 	snop  }
0x6: {  	_ = 	snop  }
0x7: {  	_ = 	snop  }
__scs_overlays_trampoline_lowered:
0x8: {  	[smem:$0x3F9A] =	sst s0  }
0x9: {  	[smem:$0x3F9B] =	sst s1  }
0xa: {  	[smem:$0x3F9C] =	sst s2  }
0xb: {  	[smem:$0x3F9D] =	sst s3  }
0xc: {  	[smem:$0x3F9E] =	sst s4  }
0xd: {  	[smem:$0x3F9F] =	sst s5  }
0xe: {  	[smem:$0x3FA0] =	sst s6  }
0xf: {  	[smem:$0x3FA1] =	sst s7  }
0x10: {  	[smem:$0x3FA2] =	sst s8  }
0x11: {  	[smem:$0x3FA3] =	sst s9;
	s0 =	simm.s32 @!p0 $0x0  }
0x12: {  	s1 =	sld [smem:$0x3F89];
	s0 =	simm.s32 @p0 $0x1  }
0x13: {  	[smem:$0x3FA4] =	sst s0;
	s0 =	simm.s32 @!p1 $0x0  }
0x14: {  	s2 =	sld [smem:$0x3F88];
	s0 =	simm.s32 @p1 $0x1  }
0x15: {  	[smem:$0x3FA5] =	sst s0;
	s0 =	simm.s32 @!p2 $0x0  }
0x16: {  	s3 =	sld [smem:$0x3FDB];
	s0 =	simm.s32 @p2 $0x1  }
0x17: {  	s4 =	simm.s32 $0x1BF5;
	[smem:$0x3FA7] =	sst s0  }
0x18: {  	s0 =	sld [smem:$0x3F8A];
	_ =	swait.ge [sflag:s4], $0x0  }
0x19: {  	s7 =	sld [smem:$0x3F8B]  }
0x1a: {  	s8 =	sadd.s32 $0xFFFFE003, lr  }
0x1b: {  	s9 =	sadd.s32 $0xFFFFFEF7, lr;
	s5 =	simm.s32 $0xFFFFFFFF;
	p2 =	slt.u32 s8, $0xFFFFF086  }
0x1c: {  	p1 =	slt.u32 s9, $0xF7A;
	s5 =	simm.s32 @!p2 $0x0  }
0x1d: {  	s5 =	simm.s32 @p1 $0x1;
	p0 =	seq.s32 s7, s2  }
0x1e: {  	s7 =	smul.u32 @!p0 $0xF7A, s2;
	p2 =	seq.s32 @!p0 s5, $0x0  }
0x1f: {  	s9 =	smul.u32 $0xF7A, s1;
	s8 =	simm.s32 @!p0 $0x1BF5;
	p2 =	por !p2, p0  }
0x20: {  	[sflag:s8] =	ssyncset.s32 @!p0 $0xFFFFF086;
	s6 =	sadd.s32 @!p0 s3, s7;
	s7 =	simm.s32 @!p0 $0x108  }
0x21: {  	s3 =	sadd.s32 s3, s9;
	s6 =	sadd.s32 @!p0 $0x88, s6;
	s7 =	simm.s32 @p2 $0x1082  }
0x22: {  	[simem:s7], [sflag:s8] =	dma.local @!p0 [hbm:s6], $0xF7A  }
0x23: {  	s9 =	sor.u32 $0xD0000000, s2;
	s6 =	simm.s32 $0x108;
	_ =	swait.ge @!p0 [sflag:s8], $0x0  }
0x24: {  	s3 =	sadd.s32 $0x88, s3;
	s6 =	simm.s32 @!p1 $0x1082;
	[sflag:s4] =	ssyncset.s32 $0xFFFFF086  }
0x25: {  	[simem:s6], [sflag:s4] =	dma.local [hbm:s3], $0xF7A  }
0x26: {  	[smem:$0x3F8B] =	sst s1;
	(tag) =	ssettag s2;
	_ =	strace s9  }
0x27: {  	s1 =	sld [smem:$0x3F9B]  }
0x28: {  	s2 =	sld [smem:$0x3F9C]  }
0x29: {  	s4 =	sld [smem:$0x3F9E]  }
0x2a: {  	p0 =	seq.s32 s5, $0x0;
	s5 =	sld [smem:$0x3F9F]  }
0x2b: {  	s6 =	sld [smem:$0x3FA0]  }
0x2c: {  	s7 =	sld [smem:$0x3FA1]  }
0x2d: {  	s3 =	simm.s32 $0x108;
	s8 =	sld [smem:$0x3FA2]  }
0x2e: {  	s3 =	simm.s32 @!p0 $0x1082;
	s9 =	sld [smem:$0x3FA3]  }
0x2f: {  	lr =	sadd.s32 s0, s3;
	s0 =	sld [smem:$0x3F9A]  }
0x30: {  	s3 =	sld [smem:$0x3F9D]  }
0x31: {  	[smem:$0x3FA6] =	sst s10  }
0x32: {  	s10 =	sld [smem:$0x3FA4];
	_ =	sdelay $0x3  }
0x33: {  	p0 =	seq.s32 s10, $0x1;
	s10 =	sld [smem:$0x3FA6];
	_ =	sdelay $0x3  }
0x34: {  	[smem:$0x3FA6] =	sst s10  }
0x35: {  	s10 =	sld [smem:$0x3FA5];
	_ =	sdelay $0x3  }
0x36: {  	p1 =	seq.s32 s10, $0x1;
	s10 =	sld [smem:$0x3FA6];
	_ =	sdelay $0x3  }
0x37: {  	[smem:$0x3FA6] =	sst s10  }
0x38: {  	s10 =	sld [smem:$0x3FA7]  }
0x39: {  	_ = 	snop;
	(pc) =	sbr.ind lr, $3  }
0x3a: {  	_ = 	snop  }
0x3b: {  	_ = 	snop  }
0x3c: {  	p2 =	seq.s32 s10, $0x1;
	s10 =	sld [smem:$0x3FA6]  }
0x3d: {  	_ =	shalt  }
0x3e: {  	_ =	shalt  }
0x3f: {  	_ =	shalt  }
0x40: {  	_ =	shalt  }
0x41: {  	_ =	shalt  }
0x42: {  	_ =	shalt  }
0x43: {  	_ =	shalt  }
0x44: {  	_ =	shalt  }
0x45: {  	_ =	shalt  }
0x46: {  	_ =	shalt  }
0x47: {  	_ =	shalt  }
0x48: {  	_ =	shalt  }
0x49: {  	_ =	shalt  }
0x4a: {  	_ =	shalt  }
0x4b: {  	_ =	shalt  }
0x4c: {  	_ =	shalt  }
0x4d: {  	_ =	shalt  }
0x4e: {  	_ =	shalt  }
0x4f: {  	_ =	shalt  }
0x50: {  	_ =	shalt  }
0x51: {  	_ =	shalt  }
0x52: {  	_ =	shalt  }
0x53: {  	_ =	shalt  }
0x54: {  	_ =	shalt  }
0x55: {  	_ =	shalt  }
0x56: {  	_ =	shalt  }
0x57: {  	_ =	shalt  }
0x58: {  	_ =	shalt  }
0x59: {  	_ =	shalt  }
0x5a: {  	_ =	shalt  }
0x5b: {  	_ =	shalt  }
0x5c: {  	_ =	shalt  }
0x5d: {  	_ =	shalt  }
0x5e: {  	_ =	shalt  }
0x5f: {  	_ =	shalt  }
0x60: {  	_ =	shalt  }
0x61: {  	_ =	shalt  }
0x62: {  	_ =	shalt  }
0x63: {  	_ =	shalt  }
0x64: {  	_ =	shalt  }
0x65: {  	_ =	shalt  }
0x66: {  	_ =	shalt  }
0x67: {  	_ =	shalt  }
0x68: {  	_ =	shalt  }
0x69: {  	_ =	shalt  }
0x6a: {  	_ =	shalt  }
0x6b: {  	_ =	shalt  }
0x6c: {  	_ =	shalt  }
0x6d: {  	_ =	shalt  }
0x6e: {  	_ =	shalt  }
0x6f: {  	_ =	shalt  }
0x70: {  	_ =	shalt  }
0x71: {  	_ =	shalt  }
0x72: {  	_ =	shalt  }
0x73: {  	_ =	shalt  }
0x74: {  	_ =	shalt  }
0x75: {  	_ =	shalt  }
0x76: {  	_ =	shalt  }
0x77: {  	_ =	shalt  }
0x78: {  	_ =	shalt  }
0x79: {  	_ =	shalt  }
0x7a: {  	_ =	shalt  }
0x7b: {  	_ =	shalt  }
0x7c: {  	_ =	shalt  }
0x7d: {  	_ =	shalt  }
0x7e: {  	_ =	shalt  }
0x7f: {  	_ =	shalt  }
0x80: {  	_ =	shalt  }
0x81: {  	_ =	shalt  }
0x82: {  	_ =	shalt  }
0x83: {  	_ =	shalt  }
0x84: {  	_ =	shalt  }
0x85: {  	_ =	shalt  }
0x86: {  	_ =	shalt  }
0x87: {  	_ =	shalt  }
.Lfunc_end0:
.L_simem_size_0:
called_computation.1_lowered:
.L_overlay_start_0:
0x88: {  	s2 =	sld [smem:$0x3FD9]  }
0x89: {  	s3 =	sld [smem:$0x3FFE];
	_ =	sdelay $0x1  }
0x8a: {  	s1 =	srdreg.scid  }
0x8b: {  	s0 =	sand.u32 $0x1, s1  }
0x8c: {  	s16 =	sshll.u32 s0, $0xA;
	s2 =	sadd.s32 s3, s2  }
0x8d: {  	s2 =	sadd.s32 s2, s16  }
0x8e: {  	[smem:$0x3FB2] =	sst s2  }
0x8f: {  	_ = 	snop  }
0x90: {  	(tm) =	ssettm $0x1  }
0x91: {  	s17 =	sld [smem:$0x3FFB];
	_ =	sdelay $0x3  }
0x92: {  	_ =	strace s17  }
0x93: {  	s2 =	sld [smem:$0x3FFC];
	_ =	sdelay $0x3  }
0x94: {  	_ =	strace s2  }
0x95: {  	s2 =	sld [smem:$0x3FFD];
	_ =	sdelay $0x3  }
0x96: {  	_ =	strace s2  }
0x97: {  	_ =	strace $0x8FFFFFFF  }
0x98: {  	s18 =	sld [smem:$0x3FDB];
	_ =	sdelay $0x1  }
0x99: {  	s19 =	simm.s32 $_scs_section_size  }
0x9a: {  	s4 =	simm.s32 $_size__tile_overlayer_lowered;
	s5 =	simm.s32 $_tile_overlayer_lowered  }
0x9b: {  	s22 =	simm.s32 $0x1BFF;
	s21 =	sshll.u32 s5, $0x1;
	s2 =	sadd.s32 s19, s18  }
0x9c: {  	s6 =	simm.s32 $0x0;
	s20 =	sshll.u32 s4, $0x1;
	s4 =	sadd.s32 s21, s2  }
0x9d: {  	[timem:s6], [sflag:s22] =	dma.local [hbm:s4], s20  }
0x9e: {  	_ =	swait.ge [sflag:s22], s20  }
0x9f: {  	s3 =	ssub.s32 $0x0, s20;
	[sflag:s22] =	ssyncset.done $0x0  }
0xa0: {  	[sflag:s22] =	ssyncadd.s32 s3;
	_ =	sdelay $0x1  }
0xa1: {  	s23 =	simm.s32 $0x1B8B  }
0xa2: {  	_ =	swait.ge [sflag:s23], $0x1  }
0xa3: {  	[sflag:s23] =	ssyncset.done $0x0  }
0xa4: {  	s25 =	simm.s32 $0x1B8E;
	s24 =	sld [smem:$0x3FFE];
	[sflag:s23] =	ssyncadd.s32 $0xFFFFFFFF  }
0xa5: {  	s26 =	simm.s32 $execute0_lowered;
	[smem:$0x3FD2] =	sst s25  }
0xa6: {  	s4 =	sshll.u32 s26, $0x1;
	_ =	strace $0x80000049;
	[dreg:$0x1] =	wrdreg $0xFFFFFFFF  }
0xa7: {  	s28 =	simm.s32 $_size_execute0_lowered;
	s2 =	sadd.s32 s2, s4;
	[dreg:$0x0] =	wrdreg $0x0  }
0xa8: {  	s4 =	sshll.u32 s28, $0x1;
	[dreg:$0x2] =	wrdreg s2  }
0xa9: {  	[dreg:$0x3] =	wrdreg s4  }
0xaa: {  	[dreg:$0x4] =	wrdreg $0xC0  }
0xab: {  	_ =	task [dreg:s6], $0x5FFFF  }
0xac: {  	[dreg:$0x1] =	wrdreg $0xFFFFFFFF  }
0xad: {  	[dreg:$0x0] =	wrdreg $0x60  }
0xae: {  	[dreg:$0x2] =	wrdreg s24  }
0xaf: {  	[dreg:$0x3] =	wrdreg $0x90000  }
0xb0: {  	[dreg:$0x4] =	wrdreg $0x9  }
0xb1: {  	_ =	task.clear_ibuf [dreg:s6], $0x5FFFF;
	_ =	strace $0x90000049  }
0xb2: {  	s29 =	simm.s32 $0x9;
	_ =	strace $0x8000004B  }
0xb3: {  	_ =	swait.ge [sflag:s29], $0x1  }
0xb4: {  	[sflag:s29] =	ssyncadd.s32 $0xFFFFFFFF  }
0xb5: {  	_ =	strace $0x9000004B  }
0xb6: {  	_ =	sfence  }
0xb7: {  	s30 =	sld [smem:$0x0];
	_ =	sdelay $0x2  }
0xb8: {  	s31 =	sshll.u32 s1, $0xD;
	s1 =	sshrl.u32 s1, $0x2  }
0xb9: {  	s3 =	sand.u32 $0x4000, s31;
	s1 =	sadd.s32 s1, s30  }
0xba: {  	s0 =	sor.u32 s3, s0;
	s1 =	sshll.u32 s1, $0x11  }
0xbb: {  	s0 =	sor.u32 s1, s0  }
0xbc: {  	s0 =	sadd.s32 $0x8F2B, s0  }
0xbd: {  	[sflag:s0] =	ssyncadd.remote.s32 $0x1  }
0xbe: {  	_ =	sfence.sel $0xFFFF  }
0xbf: {  	[dreg:$0x0] =	wrdreg $0xFFFFFFFF;
	(pc) =	sbr.abs _section_cstart, $3  }
0xc0: {  	[dreg:$0x1] =	wrdreg $0xFFFFFFFF  }
0xc1: {  	_ =	task.clear_ibuf [dreg:s6], $0x2FFFF;
	_ =	strace $0x9FFFFFFF  }
0xc2: {  	(tm) =	ssettm $0x7FFFFFFF  }
0xc3: {  	_ =	shalt  }
tec
execute0_lowered:
.L_overlay_start_1:
0x0: {  	(tag) =	ssettag $0x1  }
0x1: {  	s1 =	srdreg.scid;
	s5 =	rddreg [dreg:$0x0]  }
0x2: {  	s0 =	stileid.u32;
	s2 =	rddreg [dreg:$0x1];
	s3 =	simm.s32 $0x0  }
0x3: {  	s14 =	simm.s32 $0x80;
	s15 =	simm.s32 $0x5000;
	s16 =	simm.s32 $0x1  }
0x4: {  	s17 =	simm.s32 $0x0;
	s6 =	sand.u32 $0x1, s1;
	s1 =	rddreg [dreg:$0x2]  }
0x5: {  	s30 =	sshll.u32 s0, $0x1;
	[smem:$0x7FF] =	sst s3;
	s8 =	smul.u32 $0x14000, s0  }
0x6: {  	s31 =	smul.u32 $0x50000, s0;
	s12 =	sshll.u32 s0, $0x6;
	s4 =	sor.u32 s6, s30  }
0x7: {  	_ =	strace $0x8000004A;
	s9 =	smul.u32 $0x140000, s6;
	s6 =	ssub.s32 $0x2, s6  }
0x8: {  	s12 =	sor.u32 $0x1C02, s12;
	s7 =	smul.u32 $0x500, s4;
	s4 =	sadd.s32 $0x37800, s5  }
0x9: {  	s10 =	sshrl.u32 s8, $0x3;
	s11 =	sshrl.u32 s6, $0x1;
	s8 =	sadd.s32 s8, s9  }
0xa: {  	s10 =	sadd.s32 s10, s5;
	s11 =	ssub.s32 s6, s11;
	s9 =	sshrl.u32 s31, $0x2  }
0xb: {  	s7 =	sadd.s32 s7, s5;
	s8 =	sshrl.u32 s8, $0x3;
	s13 =	sadd.s32 s9, s2  }
0xc: {  	s9 =	smax.u32 s11, $0x1;
	s11 =	simm.s32 $0x2800;
	s8 =	sadd.s32 s8, s5  }
0xd: {  	s5 =	sadd.s32 $0x87800, s7;
	s6 =	sadd.s32 $0x5800, s7;
	s7 =	sadd.s32 $0xF800, s10  }
0xe: {  	s10 =	simm.s32 $0x2;
	s13 =	sshrl.u32 s13, $0x3;
	s8 =	sadd.s32 $0x91800, s8  }
.LBB2_1:
0xf: {  	[tilespmem:s3], [sflag:$0x2] =	stream.linear.gather [hbm4b:s5+s3], $0x2780, $0x38;
	[tilespmem:$0x1D000] =	vst v63  }
0x10: {  	_ =	swait.ge [sflag:s10], $0x2780  }
0x11: {  	[sflag:s10] =	ssyncset.done $0x0  }
0x12: {  	[sflag:s10] =	ssyncadd.s32 $0xFFFFD880  }
0x13: {  	[tilespmem:s11], [sflag:$0x2] =	stream.linear.gather [hbm4b:s6+s3], $0x2780, $0x38;
	[tilespmem:$0x1D000] =	vst v63  }
0x14: {  	_ =	swait.ge [sflag:s10], $0x2780  }
0x15: {  	[sflag:s10] =	ssyncset.done $0x0  }
0x16: {  	[sflag:s10] =	ssyncadd.s32 $0xFFFFD880  }
0x17: {  	[spmem:s13], [sflag:s12] =	dma.local [hbm:s7], $0x2800  }
0x18: {  	_ =	swait.ge [sflag:s10], $0x2800  }
0x19: {  	[sflag:s10] =	ssyncset.done $0x0  }
0x1a: {  	[sflag:s10] =	ssyncadd.s32 $0xFFFFD800  }
0x1b: {  	s18 =	simm.s32 $0x0;
	[bflag:$0x0] =	sbarrier.arrive $0xFFFF  }
0x1c: {  	[tilespmem:s15], [sflag:$0x1] =	stream.indirect.gather [hbm4b:s4+s14], $0x80, s18, s14, $0xb8;
	[tilespmem:$0x1D000] =	vst v63  }
0x1d: {  	_ =	swait.ge [sflag:s16], $0x4000  }
0x1e: {  	[sflag:s16] =	ssyncset.done $0x0  }
0x1f: {  	s31 =	simm.s32 $0x2800;
	[sflag:s16] =	ssyncadd.s32 $0xFFFFC000  }
0x20: {  	[spmem:s2] =	stream.indirect.scatter.add.f32 [tilespmem:s15], [sflag:$0x2], $0x80, s31, s14, $0xb8;
	[tilespmem:$0x1D000] =	vst v63  }
0x21: {  	_ =	swait.ge [sflag:s10], $0x4000  }
0x22: {  	s19 =	simm.s32 $0x400;
	s18 =	simm.s32 $0x200;
	[sflag:s10] =	ssyncset.done $0x0  }
.LBB2_2:
0x23: {  	s20 =	sshra.s32 s18, $0x2  }
0x24: {  	[sflag:s10] =	ssyncadd.s32 $0xFFFFC000;
	s18 =	smov.u32 s19;
	s21 =	sadd.s32 $0x200, s19  }
0x25: {  	[tilespmem:s15], [sflag:$0x1] =	stream.indirect.gather [hbm4b:s4+s14], $0x80, s20, s14, $0xb8;
	[tilespmem:$0x1D000] =	vst v63  }
0x26: {  	p0 =	sne.s32 s19, $0x9C00;
	_ =	swait.ge [sflag:s16], $0x4000  }
.Ltmp0:
0x27: {  	[sflag:s16] =	ssyncset.done $0x0;
	(pc) =	sbr.rel @p0 .LBB2_2-.Ltmp0, $4  }
0x28: {  	s19 =	sadd.s32 $0x2800, s20;
	[sflag:s16] =	ssyncadd.s32 $0xFFFFC000  }
0x29: {  	[spmem:s2] =	stream.indirect.scatter.add.f32 [tilespmem:s15], [sflag:$0x2], $0x80, s19, s14, $0xb8;
	[tilespmem:$0x1D000] =	vst v63  }
0x2a: {  	_ =	swait.ge [sflag:s10], $0x4000  }
0x2b: {  	s19 =	smov.u32 s21;
	[sflag:s10] =	ssyncset.done $0x0  }
0x2c: {  	s18 =	sshra.s32 s18, $0x2;
	[sflag:s10] =	ssyncadd.s32 $0xFFFFC000  }
0x2d: {  	[tilespmem:s15], [sflag:$0x1] =	stream.indirect.gather [hbm4b:s4+s14], $0x80, s18, s14, $0xb8;
	[tilespmem:$0x1D000] =	vst v63  }
0x2e: {  	_ =	swait.ge [sflag:s16], $0x4000  }
0x2f: {  	[sflag:s16] =	ssyncset.done $0x0  }
0x30: {  	s18 =	sadd.s32 $0x2800, s18;
	[sflag:s16] =	ssyncadd.s32 $0xFFFFC000  }
0x31: {  	[spmem:s2] =	stream.indirect.scatter.add.f32 [tilespmem:s15], [sflag:$0x2], $0x80, s18, s14, $0xb8;
	[tilespmem:$0x1D000] =	vst v63  }
0x32: {  	_ =	swait.ge [sflag:s10], $0x4000  }
0x33: {  	s17 =	sadd.s32 $0x1, s17;
	[sflag:s10] =	ssyncset.done $0x0  }
0x34: {  	p0 =	sne.s32 s17, s9;
	[sflag:s10] =	ssyncadd.s32 $0xFFFFC000  }
.Ltmp1:
0x35: {  	[bflag:$0x0] =	sbarrier.arrive $0xFFFF;
	(pc) =	sbr.rel @p0 .LBB2_1-.Ltmp1, $4  }
0x36: {  	[hbm:s8], [sflag:s12] =	dma.local [spmem:s13], $0x2800  }
0x37: {  	_ =	swait.ge [sflag:s10], $0x2800  }
0x38: {  	[sflag:s10] =	ssyncset.done $0x0  }
0x39: {  	[sflag:s10] =	ssyncadd.s32 $0xFFFFD800  }
0x3a: {  	_ =	sfence.sel $0x180000  }
0x3b: {  	[bflag:$0x0] =	sbarrier.arrive $0xFFFF  }
0x3c: {  	p0 =	sne.s32 s0, $0x0;
	_ =	strace $0x9000004A  }
0x3d: {  	s0 =	sadd.s32 @!p0 $0x100000, s1;
	[bflag:$0x2] =	sbarrier.arrive $0xFFFF  }
0x3e: {  	[sflag:s0] =	ssyncadd.tile.s32 @!p0 $0x1;
	_ =	shalt  }
.Lfunc_end2:
_tile_overlayer_lowered:
.L_overlay_start_2:
0x3f: {  	(tag) =	ssettag $0x2  }
0x40: {  	s0 =	rddreg [dreg:$0x0];
	s2 =	stileid.u32  }
0x41: {  	s1 =	rddreg [dreg:$0x1];
	p0 =	sne.s32 s2, $0x0  }
0x42: {  	s3 =	rddreg [dreg:$0x2];
	[bflag:$0x3] =	sbarrier.arrive $0xFFFF;
	s2 =	simm.s32 @!p0 $0x1C02  }
0x43: {  	[timem:s3], [sflag:s2] =	dma.local @!p0 [hbm:s0], s1  }
0x44: {  	s0 =	simm.s32 @!p0 $0x2  }
0x45: {  	_ =	swait.ge @!p0 [sflag:s0], s1  }
0x46: {  	s1 =	ssub.s32 @!p0 $0x0, s1;
	[sflag:s0] =	ssyncset.done @!p0 $0x0  }
0x47: {  	[sflag:s0] =	ssyncadd.s32 @!p0 s1  }
0x48: {  	[bflag:$0x3] =	sbarrier.arrive $0xFFFF  }
0x49: {  	_ =	shalt  }

// kernel: kernel.17.cloned.1.call-start
scs
__scs_entry_jumppad:
0x0: {  	(pc) =	sbr.rel $0x88, $3  }
0x1: {  	(tag) =	ssettag $0x0;
	lr =	simm.s32 $0x1  }
0x2: {  	[smem:$0x3F8B] =	sst lr;
	_ =	strace $0xD0000000  }
0x3: {  	_ = 	snop  }
0x4: {  	_ = 	snop  }
0x5: {  	_ = 	snop  }
0x6: {  	_ = 	snop  }
0x7: {  	_ = 	snop  }
__scs_overlays_trampoline_lowered:
0x8: {  	[smem:$0x3F9A] =	sst s0  }
0x9: {  	[smem:$0x3F9B] =	sst s1  }
0xa: {  	[smem:$0x3F9C] =	sst s2  }
0xb: {  	[smem:$0x3F9D] =	sst s3  }
0xc: {  	[smem:$0x3F9E] =	sst s4  }
0xd: {  	[smem:$0x3F9F] =	sst s5  }
0xe: {  	[smem:$0x3FA0] =	sst s6  }
0xf: {  	[smem:$0x3FA1] =	sst s7  }
0x10: {  	[smem:$0x3FA2] =	sst s8  }
0x11: {  	[smem:$0x3FA3] =	sst s9;
	s0 =	simm.s32 @!p0 $0x0  }
0x12: {  	s1 =	sld [smem:$0x3F89];
	s0 =	simm.s32 @p0 $0x1  }
0x13: {  	[smem:$0x3FA4] =	sst s0;
	s0 =	simm.s32 @!p1 $0x0  }
0x14: {  	s2 =	sld [smem:$0x3F88];
	s0 =	simm.s32 @p1 $0x1  }
0x15: {  	[smem:$0x3FA5] =	sst s0;
	s0 =	simm.s32 @!p2 $0x0  }
0x16: {  	s3 =	sld [smem:$0x3FDB];
	s0 =	simm.s32 @p2 $0x1  }
0x17: {  	s4 =	simm.s32 $0x1BF5;
	[smem:$0x3FA7] =	sst s0  }
0x18: {  	s0 =	sld [smem:$0x3F8A];
	_ =	swait.ge [sflag:s4], $0x0  }
0x19: {  	s7 =	sld [smem:$0x3F8B]  }
0x1a: {  	s8 =	sadd.s32 $0xFFFFE003, lr  }
0x1b: {  	s9 =	sadd.s32 $0xFFFFFEF7, lr;
	s5 =	simm.s32 $0xFFFFFFFF;
	p2 =	slt.u32 s8, $0xFFFFF086  }
0x1c: {  	p1 =	slt.u32 s9, $0xF7A;
	s5 =	simm.s32 @!p2 $0x0  }
0x1d: {  	s5 =	simm.s32 @p1 $0x1;
	p0 =	seq.s32 s7, s2  }
0x1e: {  	s7 =	smul.u32 @!p0 $0xF7A, s2;
	p2 =	seq.s32 @!p0 s5, $0x0  }
0x1f: {  	s9 =	smul.u32 $0xF7A, s1;
	s8 =	simm.s32 @!p0 $0x1BF5;
	p2 =	por !p2, p0  }
0x20: {  	[sflag:s8] =	ssyncset.s32 @!p0 $0xFFFFF086;
	s6 =	sadd.s32 @!p0 s3, s7;
	s7 =	simm.s32 @!p0 $0x108  }
0x21: {  	s3 =	sadd.s32 s3, s9;
	s6 =	sadd.s32 @!p0 $0x88, s6;
	s7 =	simm.s32 @p2 $0x1082  }
0x22: {  	[simem:s7], [sflag:s8] =	dma.local @!p0 [hbm:s6], $0xF7A  }
0x23: {  	s9 =	sor.u32 $0xD0000000, s2;
	s6 =	simm.s32 $0x108;
	_ =	swait.ge @!p0 [sflag:s8], $0x0  }
0x24: {  	s3 =	sadd.s32 $0x88, s3;
	s6 =	simm.s32 @!p1 $0x1082;
	[sflag:s4] =	ssyncset.s32 $0xFFFFF086  }
0x25: {  	[simem:s6], [sflag:s4] =	dma.local [hbm:s3], $0xF7A  }
0x26: {  	[smem:$0x3F8B] =	sst s1;
	(tag) =	ssettag s2;
	_ =	strace s9  }
0x27: {  	s1 =	sld [smem:$0x3F9B]  }
0x28: {  	s2 =	sld [smem:$0x3F9C]  }
0x29: {  	s4 =	sld [smem:$0x3F9E]  }
0x2a: {  	p0 =	seq.s32 s5, $0x0;
	s5 =	sld [smem:$0x3F9F]  }
0x2b: {  	s6 =	sld [smem:$0x3FA0]  }
0x2c: {  	s7 =	sld [smem:$0x3FA1]  }
0x2d: {  	s3 =	simm.s32 $0x108;
	s8 =	sld [smem:$0x3FA2]  }
0x2e: {  	s3 =	simm.s32 @!p0 $0x1082;
	s9 =	sld [smem:$0x3FA3]  }
0x2f: {  	lr =	sadd.s32 s0, s3;
	s0 =	sld [smem:$0x3F9A]  }
0x30: {  	s3 =	sld [smem:$0x3F9D]  }
0x31: {  	[smem:$0x3FA6] =	sst s10  }
0x32: {  	s10 =	sld [smem:$0x3FA4];
	_ =	sdelay $0x3  }
0x33: {  	p0 =	seq.s32 s10, $0x1;
	s10 =	sld [smem:$0x3FA6];
	_ =	sdelay $0x3  }
0x34: {  	[smem:$0x3FA6] =	sst s10  }
0x35: {  	s10 =	sld [smem:$0x3FA5];
	_ =	sdelay $0x3  }
0x36: {  	p1 =	seq.s32 s10, $0x1;
	s10 =	sld [smem:$0x3FA6];
	_ =	sdelay $0x3  }
0x37: {  	[smem:$0x3FA6] =	sst s10  }
0x38: {  	s10 =	sld [smem:$0x3FA7]  }
0x39: {  	_ = 	snop;
	(pc) =	sbr.ind lr, $3  }
0x3a: {  	_ = 	snop  }
0x3b: {  	_ = 	snop  }
0x3c: {  	p2 =	seq.s32 s10, $0x1;
	s10 =	sld [smem:$0x3FA6]  }
0x3d: {  	_ =	shalt  }
0x3e: {  	_ =	shalt  }
0x3f: {  	_ =	shalt  }
0x40: {  	_ =	shalt  }
0x41: {  	_ =	shalt  }
0x42: {  	_ =	shalt  }
0x43: {  	_ =	shalt  }
0x44: {  	_ =	shalt  }
0x45: {  	_ =	shalt  }
0x46: {  	_ =	shalt  }
0x47: {  	_ =	shalt  }
0x48: {  	_ =	shalt  }
0x49: {  	_ =	shalt  }
0x4a: {  	_ =	shalt  }
0x4b: {  	_ =	shalt  }
0x4c: {  	_ =	shalt  }
0x4d: {  	_ =	shalt  }
0x4e: {  	_ =	shalt  }
0x4f: {  	_ =	shalt  }
0x50: {  	_ =	shalt  }
0x51: {  	_ =	shalt  }
0x52: {  	_ =	shalt  }
0x53: {  	_ =	shalt  }
0x54: {  	_ =	shalt  }
0x55: {  	_ =	shalt  }
0x56: {  	_ =	shalt  }
0x57: {  	_ =	shalt  }
0x58: {  	_ =	shalt  }
0x59: {  	_ =	shalt  }
0x5a: {  	_ =	shalt  }
0x5b: {  	_ =	shalt  }
0x5c: {  	_ =	shalt  }
0x5d: {  	_ =	shalt  }
0x5e: {  	_ =	shalt  }
0x5f: {  	_ =	shalt  }
0x60: {  	_ =	shalt  }
0x61: {  	_ =	shalt  }
0x62: {  	_ =	shalt  }
0x63: {  	_ =	shalt  }
0x64: {  	_ =	shalt  }
0x65: {  	_ =	shalt  }
0x66: {  	_ =	shalt  }
0x67: {  	_ =	shalt  }
0x68: {  	_ =	shalt  }
0x69: {  	_ =	shalt  }
0x6a: {  	_ =	shalt  }
0x6b: {  	_ =	shalt  }
0x6c: {  	_ =	shalt  }
0x6d: {  	_ =	shalt  }
0x6e: {  	_ =	shalt  }
0x6f: {  	_ =	shalt  }
0x70: {  	_ =	shalt  }
0x71: {  	_ =	shalt  }
0x72: {  	_ =	shalt  }
0x73: {  	_ =	shalt  }
0x74: {  	_ =	shalt  }
0x75: {  	_ =	shalt  }
0x76: {  	_ =	shalt  }
0x77: {  	_ =	shalt  }
0x78: {  	_ =	shalt  }
0x79: {  	_ =	shalt  }
0x7a: {  	_ =	shalt  }
0x7b: {  	_ =	shalt  }
0x7c: {  	_ =	shalt  }
0x7d: {  	_ =	shalt  }
0x7e: {  	_ =	shalt  }
0x7f: {  	_ =	shalt  }
0x80: {  	_ =	shalt  }
0x81: {  	_ =	shalt  }
0x82: {  	_ =	shalt  }
0x83: {  	_ =	shalt  }
0x84: {  	_ =	shalt  }
0x85: {  	_ =	shalt  }
0x86: {  	_ =	shalt  }
0x87: {  	_ =	shalt  }
.Lfunc_end0:
.L_simem_size_0:
called_computation.2_lowered:
.L_overlay_start_0:
0x88: {  	s2 =	sld [smem:$0x3FD9]  }
0x89: {  	s3 =	sld [smem:$0x3FFE];
	_ =	sdelay $0x1  }
0x8a: {  	s1 =	srdreg.scid  }
0x8b: {  	s0 =	sand.u32 $0x1, s1  }
0x8c: {  	s16 =	sshll.u32 s0, $0xA;
	s2 =	sadd.s32 s3, s2  }
0x8d: {  	s2 =	sadd.s32 s2, s16  }
0x8e: {  	[smem:$0x3FB2] =	sst s2  }
0x8f: {  	_ = 	snop  }
0x90: {  	(tm) =	ssettm $0x1  }
0x91: {  	s17 =	sld [smem:$0x3FFB];
	_ =	sdelay $0x3  }
0x92: {  	_ =	strace s17  }
0x93: {  	s2 =	sld [smem:$0x3FFC];
	_ =	sdelay $0x3  }
0x94: {  	_ =	strace s2  }
0x95: {  	s2 =	sld [smem:$0x3FFD];
	_ =	sdelay $0x3  }
0x96: {  	_ =	strace s2  }
0x97: {  	_ =	strace $0x8FFFFFFF  }
0x98: {  	s18 =	sld [smem:$0x3FDB];
	_ =	sdelay $0x1  }
0x99: {  	s19 =	simm.s32 $_scs_section_size  }
0x9a: {  	s4 =	simm.s32 $_size__tile_overlayer_lowered;
	s5 =	simm.s32 $_tile_overlayer_lowered  }
0x9b: {  	s22 =	simm.s32 $0x1BFF;
	s21 =	sshll.u32 s5, $0x1;
	s2 =	sadd.s32 s19, s18  }
0x9c: {  	s6 =	simm.s32 $0x0;
	s20 =	sshll.u32 s4, $0x1;
	s4 =	sadd.s32 s21, s2  }
0x9d: {  	[timem:s6], [sflag:s22] =	dma.local [hbm:s4], s20  }
0x9e: {  	_ =	swait.ge [sflag:s22], s20  }
0x9f: {  	s3 =	ssub.s32 $0x0, s20;
	[sflag:s22] =	ssyncset.done $0x0  }
0xa0: {  	[sflag:s22] =	ssyncadd.s32 s3;
	_ =	sdelay $0x1  }
0xa1: {  	s23 =	simm.s32 $0x1B8B  }
0xa2: {  	_ =	swait.ge [sflag:s23], $0x1  }
0xa3: {  	[sflag:s23] =	ssyncset.done $0x0  }
0xa4: {  	s25 =	simm.s32 $0x1B8E;
	s24 =	sld [smem:$0x3FFE];
	[sflag:s23] =	ssyncadd.s32 $0xFFFFFFFF  }
0xa5: {  	s26 =	simm.s32 $execute0_lowered;
	[smem:$0x3FD2] =	sst s25  }
0xa6: {  	s4 =	sshll.u32 s26, $0x1;
	_ =	strace $0x8000004C;
	[dreg:$0x1] =	wrdreg $0xFFFFFFFF  }
0xa7: {  	s28 =	simm.s32 $_size_execute0_lowered;
	s2 =	sadd.s32 s2, s4;
	[dreg:$0x0] =	wrdreg $0x0  }
0xa8: {  	s4 =	sshll.u32 s28, $0x1;
	[dreg:$0x2] =	wrdreg s2  }
0xa9: {  	[dreg:$0x3] =	wrdreg s4  }
0xaa: {  	[dreg:$0x4] =	wrdreg $0xC0  }
0xab: {  	_ =	task [dreg:s6], $0x5FFFF  }
0xac: {  	[dreg:$0x1] =	wrdreg $0xFFFFFFFF  }
0xad: {  	[dreg:$0x0] =	wrdreg $0x60  }
0xae: {  	[dreg:$0x2] =	wrdreg s24  }
0xaf: {  	[dreg:$0x3] =	wrdreg $0x90000  }
0xb0: {  	[dreg:$0x4] =	wrdreg $0x9  }
0xb1: {  	_ =	task.clear_ibuf [dreg:s6], $0x5FFFF;
	_ =	strace $0x9000004C  }
0xb2: {  	s29 =	simm.s32 $0x9;
	_ =	strace $0x8000004E  }
0xb3: {  	_ =	swait.ge [sflag:s29], $0x1  }
0xb4: {  	[sflag:s29] =	ssyncadd.s32 $0xFFFFFFFF  }
0xb5: {  	_ =	strace $0x9000004E  }
0xb6: {  	_ =	sfence  }
0xb7: {  	s30 =	sld [smem:$0x0];
	_ =	sdelay $0x2  }
0xb8: {  	s31 =	sshll.u32 s1, $0xD;
	s1 =	sshrl.u32 s1, $0x2  }
0xb9: {  	s3 =	sand.u32 $0x4000, s31;
	s1 =	sadd.s32 s1, s30  }
0xba: {  	s0 =	sor.u32 s3, s0;
	s1 =	sshll.u32 s1, $0x11  }
0xbb: {  	s0 =	sor.u32 s1, s0  }
0xbc: {  	s0 =	sadd.s32 $0x8F2B, s0  }
0xbd: {  	[sflag:s0] =	ssyncadd.remote.s32 $0x1  }
0xbe: {  	_ =	sfence.sel $0xFFFF  }
0xbf: {  	[dreg:$0x0] =	wrdreg $0xFFFFFFFF;
	(pc) =	sbr.abs _section_cstart, $3  }
0xc0: {  	[dreg:$0x1] =	wrdreg $0xFFFFFFFF  }
0xc1: {  	_ =	task.clear_ibuf [dreg:s6], $0x2FFFF;
	_ =	strace $0x9FFFFFFF  }
0xc2: {  	(tm) =	ssettm $0x7FFFFFFF  }
0xc3: {  	_ =	shalt  }
tec
execute0_lowered:
.L_overlay_start_1:
0x0: {  	(tag) =	ssettag $0x1  }
0x1: {  	s1 =	srdreg.scid;
	s5 =	rddreg [dreg:$0x0]  }
0x2: {  	s0 =	stileid.u32;
	s2 =	rddreg [dreg:$0x1];
	s3 =	simm.s32 $0x0  }
0x3: {  	s14 =	simm.s32 $0x80;
	s15 =	simm.s32 $0x5000;
	s16 =	simm.s32 $0x1  }
0x4: {  	s17 =	simm.s32 $0x0;
	s6 =	sand.u32 $0x1, s1;
	s1 =	rddreg [dreg:$0x2]  }
0x5: {  	s30 =	sshll.u32 s0, $0x1;
	[smem:$0x7FF] =	sst s3;
	s8 =	smul.u32 $0x14000, s0  }
0x6: {  	s31 =	smul.u32 $0x50000, s0;
	s12 =	sshll.u32 s0, $0x6;
	s4 =	sor.u32 s6, s30  }
0x7: {  	_ =	strace $0x8000004D;
	s9 =	smul.u32 $0x140000, s6;
	s6 =	ssub.s32 $0x2, s6  }
0x8: {  	s12 =	sor.u32 $0x1C02, s12;
	s7 =	smul.u32 $0x500, s4;
	s4 =	sadd.s32 $0x37800, s5  }
0x9: {  	s10 =	sshrl.u32 s8, $0x3;
	s11 =	sshrl.u32 s6, $0x1;
	s8 =	sadd.s32 s8, s9  }
0xa: {  	s10 =	sadd.s32 s10, s5;
	s11 =	ssub.s32 s6, s11;
	s9 =	sshrl.u32 s31, $0x2  }
0xb: {  	s7 =	sadd.s32 s7, s5;
	s8 =	sshrl.u32 s8, $0x3;
	s13 =	sadd.s32 s9, s2  }
0xc: {  	s9 =	smax.u32 s11, $0x1;
	s11 =	simm.s32 $0x2800;
	s8 =	sadd.s32 s8, s5  }
0xd: {  	s5 =	sadd.s32 $0x87800, s7;
	s6 =	sadd.s32 $0x5800, s7;
	s7 =	sadd.s32 $0xF800, s10  }
0xe: {  	s10 =	simm.s32 $0x2;
	s13 =	sshrl.u32 s13, $0x3;
	s8 =	sadd.s32 $0x91800, s8  }
.LBB2_1:
0xf: {  	[tilespmem:s3], [sflag:$0x2] =	stream.linear.gather [hbm4b:s5+s3], $0x2780, $0x38;
	[tilespmem:$0x1D000] =	vst v63  }
0x10: {  	_ =	swait.ge [sflag:s10], $0x2780  }
0x11: {  	[sflag:s10] =	ssyncset.done $0x0  }
0x12: {  	[sflag:s10] =	ssyncadd.s32 $0xFFFFD880  }
0x13: {  	[tilespmem:s11], [sflag:$0x2] =	stream.linear.gather [hbm4b:s6+s3], $0x2780, $0x38;
	[tilespmem:$0x1D000] =	vst v63  }
0x14: {  	_ =	swait.ge [sflag:s10], $0x2780  }
0x15: {  	[sflag:s10] =	ssyncset.done $0x0  }
0x16: {  	[sflag:s10] =	ssyncadd.s32 $0xFFFFD880  }
0x17: {  	[spmem:s13], [sflag:s12] =	dma.local [hbm:s7], $0x2800  }
0x18: {  	_ =	swait.ge [sflag:s10], $0x2800  }
0x19: {  	[sflag:s10] =	ssyncset.done $0x0  }
0x1a: {  	[sflag:s10] =	ssyncadd.s32 $0xFFFFD800  }
0x1b: {  	s18 =	simm.s32 $0x0;
	[bflag:$0x0] =	sbarrier.arrive $0xFFFF  }
0x1c: {  	[tilespmem:s15], [sflag:$0x1] =	stream.indirect.gather [hbm4b:s4+s14], $0x80, s18, s14, $0xb8;
	[tilespmem:$0x1D000] =	vst v63  }
0x1d: {  	_ =	swait.ge [sflag:s16], $0x4000  }
0x1e: {  	[sflag:s16] =	ssyncset.done $0x0  }
0x1f: {  	s31 =	simm.s32 $0x2800;
	[sflag:s16] =	ssyncadd.s32 $0xFFFFC000  }
0x20: {  	[spmem:s2] =	stream.indirect.scatter.add.f32 [tilespmem:s15], [sflag:$0x2], $0x80, s31, s14, $0xb8;
	[tilespmem:$0x1D000] =	vst v63  }
0x21: {  	_ =	swait.ge [sflag:s10], $0x4000  }
0x22: {  	s19 =	simm.s32 $0x400;
	s18 =	simm.s32 $0x200;
	[sflag:s10] =	ssyncset.done $0x0  }
.LBB2_2:
0x23: {  	s20 =	sshra.s32 s18, $0x2  }
0x24: {  	[sflag:s10] =	ssyncadd.s32 $0xFFFFC000;
	s18 =	smov.u32 s19;
	s21 =	sadd.s32 $0x200, s19  }
0x25: {  	[tilespmem:s15], [sflag:$0x1] =	stream.indirect.gather [hbm4b:s4+s14], $0x80, s20, s14, $0xb8;
	[tilespmem:$0x1D000] =	vst v63  }
0x26: {  	p0 =	sne.s32 s19, $0x9C00;
	_ =	swait.ge [sflag:s16], $0x4000  }
.Ltmp0:
0x27: {  	[sflag:s16] =	ssyncset.done $0x0;
	(pc) =	sbr.rel @p0 .LBB2_2-.Ltmp0, $4  }
0x28: {  	s19 =	sadd.s32 $0x2800, s20;
	[sflag:s16] =	ssyncadd.s32 $0xFFFFC000  }
0x29: {  	[spmem:s2] =	stream.indirect.scatter.add.f32 [tilespmem:s15], [sflag:$0x2], $0x80, s19, s14, $0xb8;
	[tilespmem:$0x1D000] =	vst v63  }
0x2a: {  	_ =	swait.ge [sflag:s10], $0x4000  }
0x2b: {  	s19 =	smov.u32 s21;
	[sflag:s10] =	ssyncset.done $0x0  }
0x2c: {  	s18 =	sshra.s32 s18, $0x2;
	[sflag:s10] =	ssyncadd.s32 $0xFFFFC000  }
0x2d: {  	[tilespmem:s15], [sflag:$0x1] =	stream.indirect.gather [hbm4b:s4+s14], $0x80, s18, s14, $0xb8;
	[tilespmem:$0x1D000] =	vst v63  }
0x2e: {  	_ =	swait.ge [sflag:s16], $0x4000  }
0x2f: {  	[sflag:s16] =	ssyncset.done $0x0  }
0x30: {  	s18 =	sadd.s32 $0x2800, s18;
	[sflag:s16] =	ssyncadd.s32 $0xFFFFC000  }
0x31: {  	[spmem:s2] =	stream.indirect.scatter.add.f32 [tilespmem:s15], [sflag:$0x2], $0x80, s18, s14, $0xb8;
	[tilespmem:$0x1D000] =	vst v63  }
0x32: {  	_ =	swait.ge [sflag:s10], $0x4000  }
0x33: {  	s17 =	sadd.s32 $0x1, s17;
	[sflag:s10] =	ssyncset.done $0x0  }
0x34: {  	p0 =	sne.s32 s17, s9;
	[sflag:s10] =	ssyncadd.s32 $0xFFFFC000  }
.Ltmp1:
0x35: {  	[bflag:$0x0] =	sbarrier.arrive $0xFFFF;
	(pc) =	sbr.rel @p0 .LBB2_1-.Ltmp1, $4  }
0x36: {  	[hbm:s8], [sflag:s12] =	dma.local [spmem:s13], $0x2800  }
0x37: {  	_ =	swait.ge [sflag:s10], $0x2800  }
0x38: {  	[sflag:s10] =	ssyncset.done $0x0  }
0x39: {  	[sflag:s10] =	ssyncadd.s32 $0xFFFFD800  }
0x3a: {  	_ =	sfence.sel $0x180000  }
0x3b: {  	[bflag:$0x0] =	sbarrier.arrive $0xFFFF  }
0x3c: {  	p0 =	sne.s32 s0, $0x0;
	_ =	strace $0x9000004D  }
0x3d: {  	s0 =	sadd.s32 @!p0 $0x100000, s1;
	[bflag:$0x2] =	sbarrier.arrive $0xFFFF  }
0x3e: {  	[sflag:s0] =	ssyncadd.tile.s32 @!p0 $0x1;
	_ =	shalt  }
.Lfunc_end2:
_tile_overlayer_lowered:
.L_overlay_start_2:
0x3f: {  	(tag) =	ssettag $0x2  }
0x40: {  	s0 =	rddreg [dreg:$0x0];
	s2 =	stileid.u32  }
0x41: {  	s1 =	rddreg [dreg:$0x1];
	p0 =	sne.s32 s2, $0x0  }
0x42: {  	s3 =	rddreg [dreg:$0x2];
	[bflag:$0x3] =	sbarrier.arrive $0xFFFF;
	s2 =	simm.s32 @!p0 $0x1C02  }
0x43: {  	[timem:s3], [sflag:s2] =	dma.local @!p0 [hbm:s0], s1  }
0x44: {  	s0 =	simm.s32 @!p0 $0x2  }
0x45: {  	_ =	swait.ge @!p0 [sflag:s0], s1  }
0x46: {  	s1 =	ssub.s32 @!p0 $0x0, s1;
	[sflag:s0] =	ssyncset.done @!p0 $0x0  }
0x47: {  	[sflag:s0] =	ssyncadd.s32 @!p0 s1  }
0x48: {  	[bflag:$0x3] =	sbarrier.arrive $0xFFFF  }
0x49: {  	_ =	shalt  }

// kernel: kernel.20.cloned.1.call-start
scs
__scs_entry_jumppad:
0x0: {  	(pc) =	sbr.rel $0x88, $3  }
0x1: {  	(tag) =	ssettag $0x0;
	lr =	simm.s32 $0x1  }
0x2: {  	[smem:$0x3F8B] =	sst lr;
	_ =	strace $0xD0000000  }
0x3: {  	_ = 	snop  }
0x4: {  	_ = 	snop  }
0x5: {  	_ = 	snop  }
0x6: {  	_ = 	snop  }
0x7: {  	_ = 	snop  }
__scs_overlays_trampoline_lowered:
0x8: {  	[smem:$0x3F9A] =	sst s0  }
0x9: {  	[smem:$0x3F9B] =	sst s1  }
0xa: {  	[smem:$0x3F9C] =	sst s2  }
0xb: {  	[smem:$0x3F9D] =	sst s3  }
0xc: {  	[smem:$0x3F9E] =	sst s4  }
0xd: {  	[smem:$0x3F9F] =	sst s5  }
0xe: {  	[smem:$0x3FA0] =	sst s6  }
0xf: {  	[smem:$0x3FA1] =	sst s7  }
0x10: {  	[smem:$0x3FA2] =	sst s8  }
0x11: {  	[smem:$0x3FA3] =	sst s9;
	s0 =	simm.s32 @!p0 $0x0  }
0x12: {  	s1 =	sld [smem:$0x3F89];
	s0 =	simm.s32 @p0 $0x1  }
0x13: {  	[smem:$0x3FA4] =	sst s0;
	s0 =	simm.s32 @!p1 $0x0  }
0x14: {  	s2 =	sld [smem:$0x3F88];
	s0 =	simm.s32 @p1 $0x1  }
0x15: {  	[smem:$0x3FA5] =	sst s0;
	s0 =	simm.s32 @!p2 $0x0  }
0x16: {  	s3 =	sld [smem:$0x3FDB];
	s0 =	simm.s32 @p2 $0x1  }
0x17: {  	s4 =	simm.s32 $0x1BF5;
	[smem:$0x3FA7] =	sst s0  }
0x18: {  	s0 =	sld [smem:$0x3F8A];
	_ =	swait.ge [sflag:s4], $0x0  }
0x19: {  	s7 =	sld [smem:$0x3F8B]  }
0x1a: {  	s8 =	sadd.s32 $0xFFFFE003, lr  }
0x1b: {  	s9 =	sadd.s32 $0xFFFFFEF7, lr;
	s5 =	simm.s32 $0xFFFFFFFF;
	p2 =	slt.u32 s8, $0xFFFFF086  }
0x1c: {  	p1 =	slt.u32 s9, $0xF7A;
	s5 =	simm.s32 @!p2 $0x0  }
0x1d: {  	s5 =	simm.s32 @p1 $0x1;
	p0 =	seq.s32 s7, s2  }
0x1e: {  	s7 =	smul.u32 @!p0 $0xF7A, s2;
	p2 =	seq.s32 @!p0 s5, $0x0  }
0x1f: {  	s9 =	smul.u32 $0xF7A, s1;
	s8 =	simm.s32 @!p0 $0x1BF5;
	p2 =	por !p2, p0  }
0x20: {  	[sflag:s8] =	ssyncset.s32 @!p0 $0xFFFFF086;
	s6 =	sadd.s32 @!p0 s3, s7;
	s7 =	simm.s32 @!p0 $0x108  }
0x21: {  	s3 =	sadd.s32 s3, s9;
	s6 =	sadd.s32 @!p0 $0x88, s6;
	s7 =	simm.s32 @p2 $0x1082  }
0x22: {  	[simem:s7], [sflag:s8] =	dma.local @!p0 [hbm:s6], $0xF7A  }
0x23: {  	s9 =	sor.u32 $0xD0000000, s2;
	s6 =	simm.s32 $0x108;
	_ =	swait.ge @!p0 [sflag:s8], $0x0  }
0x24: {  	s3 =	sadd.s32 $0x88, s3;
	s6 =	simm.s32 @!p1 $0x1082;
	[sflag:s4] =	ssyncset.s32 $0xFFFFF086  }
0x25: {  	[simem:s6], [sflag:s4] =	dma.local [hbm:s3], $0xF7A  }
0x26: {  	[smem:$0x3F8B] =	sst s1;
	(tag) =	ssettag s2;
	_ =	strace s9  }
0x27: {  	s1 =	sld [smem:$0x3F9B]  }
0x28: {  	s2 =	sld [smem:$0x3F9C]  }
0x29: {  	s4 =	sld [smem:$0x3F9E]  }
0x2a: {  	p0 =	seq.s32 s5, $0x0;
	s5 =	sld [smem:$0x3F9F]  }
0x2b: {  	s6 =	sld [smem:$0x3FA0]  }
0x2c: {  	s7 =	sld [smem:$0x3FA1]  }
0x2d: {  	s3 =	simm.s32 $0x108;
	s8 =	sld [smem:$0x3FA2]  }
0x2e: {  	s3 =	simm.s32 @!p0 $0x1082;
	s9 =	sld [smem:$0x3FA3]  }
0x2f: {  	lr =	sadd.s32 s0, s3;
	s0 =	sld [smem:$0x3F9A]  }
0x30: {  	s3 =	sld [smem:$0x3F9D]  }
0x31: {  	[smem:$0x3FA6] =	sst s10  }
0x32: {  	s10 =	sld [smem:$0x3FA4];
	_ =	sdelay $0x3  }
0x33: {  	p0 =	seq.s32 s10, $0x1;
	s10 =	sld [smem:$0x3FA6];
	_ =	sdelay $0x3  }
0x34: {  	[smem:$0x3FA6] =	sst s10  }
0x35: {  	s10 =	sld [smem:$0x3FA5];
	_ =	sdelay $0x3  }
0x36: {  	p1 =	seq.s32 s10, $0x1;
	s10 =	sld [smem:$0x3FA6];
	_ =	sdelay $0x3  }
0x37: {  	[smem:$0x3FA6] =	sst s10  }
0x38: {  	s10 =	sld [smem:$0x3FA7]  }
0x39: {  	_ = 	snop;
	(pc) =	sbr.ind lr, $3  }
0x3a: {  	_ = 	snop  }
0x3b: {  	_ = 	snop  }
0x3c: {  	p2 =	seq.s32 s10, $0x1;
	s10 =	sld [smem:$0x3FA6]  }
0x3d: {  	_ =	shalt  }
0x3e: {  	_ =	shalt  }
0x3f: {  	_ =	shalt  }
0x40: {  	_ =	shalt  }
0x41: {  	_ =	shalt  }
0x42: {  	_ =	shalt  }
0x43: {  	_ =	shalt  }
0x44: {  	_ =	shalt  }
0x45: {  	_ =	shalt  }
0x46: {  	_ =	shalt  }
0x47: {  	_ =	shalt  }
0x48: {  	_ =	shalt  }
0x49: {  	_ =	shalt  }
0x4a: {  	_ =	shalt  }
0x4b: {  	_ =	shalt  }
0x4c: {  	_ =	shalt  }
0x4d: {  	_ =	shalt  }
0x4e: {  	_ =	shalt  }
0x4f: {  	_ =	shalt  }
0x50: {  	_ =	shalt  }
0x51: {  	_ =	shalt  }
0x52: {  	_ =	shalt  }
0x53: {  	_ =	shalt  }
0x54: {  	_ =	shalt  }
0x55: {  	_ =	shalt  }
0x56: {  	_ =	shalt  }
0x57: {  	_ =	shalt  }
0x58: {  	_ =	shalt  }
0x59: {  	_ =	shalt  }
0x5a: {  	_ =	shalt  }
0x5b: {  	_ =	shalt  }
0x5c: {  	_ =	shalt  }
0x5d: {  	_ =	shalt  }
0x5e: {  	_ =	shalt  }
0x5f: {  	_ =	shalt  }
0x60: {  	_ =	shalt  }
0x61: {  	_ =	shalt  }
0x62: {  	_ =	shalt  }
0x63: {  	_ =	shalt  }
0x64: {  	_ =	shalt  }
0x65: {  	_ =	shalt  }
0x66: {  	_ =	shalt  }
0x67: {  	_ =	shalt  }
0x68: {  	_ =	shalt  }
0x69: {  	_ =	shalt  }
0x6a: {  	_ =	shalt  }
0x6b: {  	_ =	shalt  }
0x6c: {  	_ =	shalt  }
0x6d: {  	_ =	shalt  }
0x6e: {  	_ =	shalt  }
0x6f: {  	_ =	shalt  }
0x70: {  	_ =	shalt  }
0x71: {  	_ =	shalt  }
0x72: {  	_ =	shalt  }
0x73: {  	_ =	shalt  }
0x74: {  	_ =	shalt  }
0x75: {  	_ =	shalt  }
0x76: {  	_ =	shalt  }
0x77: {  	_ =	shalt  }
0x78: {  	_ =	shalt  }
0x79: {  	_ =	shalt  }
0x7a: {  	_ =	shalt  }
0x7b: {  	_ =	shalt  }
0x7c: {  	_ =	shalt  }
0x7d: {  	_ =	shalt  }
0x7e: {  	_ =	shalt  }
0x7f: {  	_ =	shalt  }
0x80: {  	_ =	shalt  }
0x81: {  	_ =	shalt  }
0x82: {  	_ =	shalt  }
0x83: {  	_ =	shalt  }
0x84: {  	_ =	shalt  }
0x85: {  	_ =	shalt  }
0x86: {  	_ =	shalt  }
0x87: {  	_ =	shalt  }
.Lfunc_end0:
.L_simem_size_0:
called_computation.3_lowered:
.L_overlay_start_0:
0x88: {  	s2 =	sld [smem:$0x3FD9]  }
0x89: {  	s3 =	sld [smem:$0x3FFE];
	_ =	sdelay $0x1  }
0x8a: {  	s1 =	srdreg.scid  }
0x8b: {  	s0 =	sand.u32 $0x1, s1  }
0x8c: {  	s16 =	sshll.u32 s0, $0xA;
	s2 =	sadd.s32 s3, s2  }
0x8d: {  	s2 =	sadd.s32 s2, s16  }
0x8e: {  	[smem:$0x3FB2] =	sst s2  }
0x8f: {  	_ = 	snop  }
0x90: {  	(tm) =	ssettm $0x1  }
0x91: {  	s17 =	sld [smem:$0x3FFB];
	_ =	sdelay $0x3  }
0x92: {  	_ =	strace s17  }
0x93: {  	s2 =	sld [smem:$0x3FFC];
	_ =	sdelay $0x3  }
0x94: {  	_ =	strace s2  }
0x95: {  	s2 =	sld [smem:$0x3FFD];
	_ =	sdelay $0x3  }
0x96: {  	_ =	strace s2  }
0x97: {  	_ =	strace $0x8FFFFFFF  }
0x98: {  	s18 =	sld [smem:$0x3FDB];
	_ =	sdelay $0x1  }
0x99: {  	s19 =	simm.s32 $_scs_section_size  }
0x9a: {  	s4 =	simm.s32 $_size__tile_overlayer_lowered;
	s5 =	simm.s32 $_tile_overlayer_lowered  }
0x9b: {  	s22 =	simm.s32 $0x1BFF;
	s21 =	sshll.u32 s5, $0x1;
	s2 =	sadd.s32 s19, s18  }
0x9c: {  	s6 =	simm.s32 $0x0;
	s20 =	sshll.u32 s4, $0x1;
	s4 =	sadd.s32 s21, s2  }
0x9d: {  	[timem:s6], [sflag:s22] =	dma.local [hbm:s4], s20  }
0x9e: {  	_ =	swait.ge [sflag:s22], s20  }
0x9f: {  	s3 =	ssub.s32 $0x0, s20;
	[sflag:s22] =	ssyncset.done $0x0  }
0xa0: {  	[sflag:s22] =	ssyncadd.s32 s3;
	_ =	sdelay $0x1  }
0xa1: {  	s23 =	simm.s32 $0x1B8B  }
0xa2: {  	_ =	swait.ge [sflag:s23], $0x1  }
0xa3: {  	[sflag:s23] =	ssyncset.done $0x0  }
0xa4: {  	s25 =	simm.s32 $0x1B8E;
	s24 =	sld [smem:$0x3FFE];
	[sflag:s23] =	ssyncadd.s32 $0xFFFFFFFF  }
0xa5: {  	s26 =	simm.s32 $execute0_lowered;
	[smem:$0x3FD2] =	sst s25  }
0xa6: {  	s4 =	sshll.u32 s26, $0x1;
	_ =	strace $0x8000004F;
	[dreg:$0x1] =	wrdreg $0xFFFFFFFF  }
0xa7: {  	s28 =	simm.s32 $_size_execute0_lowered;
	s2 =	sadd.s32 s2, s4;
	[dreg:$0x0] =	wrdreg $0x0  }
0xa8: {  	s4 =	sshll.u32 s28, $0x1;
	[dreg:$0x2] =	wrdreg s2  }
0xa9: {  	[dreg:$0x3] =	wrdreg s4  }
0xaa: {  	[dreg:$0x4] =	wrdreg $0xC0  }
0xab: {  	_ =	task [dreg:s6], $0x5FFFF  }
0xac: {  	[dreg:$0x1] =	wrdreg $0xFFFFFFFF  }
0xad: {  	[dreg:$0x0] =	wrdreg $0x60  }
0xae: {  	[dreg:$0x2] =	wrdreg s24  }
0xaf: {  	[dreg:$0x3] =	wrdreg $0x90000  }
0xb0: {  	[dreg:$0x4] =	wrdreg $0x9  }
0xb1: {  	_ =	task.clear_ibuf [dreg:s6], $0x5FFFF;
	_ =	strace $0x9000004F  }
0xb2: {  	s29 =	simm.s32 $0x9;
	_ =	strace $0x80000051  }
0xb3: {  	_ =	swait.ge [sflag:s29], $0x1  }
0xb4: {  	[sflag:s29] =	ssyncadd.s32 $0xFFFFFFFF  }
0xb5: {  	_ =	strace $0x90000051  }
0xb6: {  	_ =	sfence  }
0xb7: {  	s30 =	sld [smem:$0x0];
	_ =	sdelay $0x2  }
0xb8: {  	s31 =	sshll.u32 s1, $0xD;
	s1 =	sshrl.u32 s1, $0x2  }
0xb9: {  	s3 =	sand.u32 $0x4000, s31;
	s1 =	sadd.s32 s1, s30  }
0xba: {  	s0 =	sor.u32 s3, s0;
	s1 =	sshll.u32 s1, $0x11  }
0xbb: {  	s0 =	sor.u32 s1, s0  }
0xbc: {  	s0 =	sadd.s32 $0x8F2B, s0  }
0xbd: {  	[sflag:s0] =	ssyncadd.remote.s32 $0x1  }
0xbe: {  	_ =	sfence.sel $0xFFFF  }
0xbf: {  	[dreg:$0x0] =	wrdreg $0xFFFFFFFF;
	(pc) =	sbr.abs _section_cstart, $3  }
0xc0: {  	[dreg:$0x1] =	wrdreg $0xFFFFFFFF  }
0xc1: {  	_ =	task.clear_ibuf [dreg:s6], $0x2FFFF;
	_ =	strace $0x9FFFFFFF  }
0xc2: {  	(tm) =	ssettm $0x7FFFFFFF  }
0xc3: {  	_ =	shalt  }
tec
execute0_lowered:
.L_overlay_start_1:
0x0: {  	(tag) =	ssettag $0x1  }
0x1: {  	s1 =	srdreg.scid;
	s5 =	rddreg [dreg:$0x0]  }
0x2: {  	s0 =	stileid.u32;
	s2 =	rddreg [dreg:$0x1];
	s3 =	simm.s32 $0x0  }
0x3: {  	s14 =	simm.s32 $0x80;
	s15 =	simm.s32 $0x5000;
	s16 =	simm.s32 $0x1  }
0x4: {  	s17 =	simm.s32 $0x0;
	s6 =	sand.u32 $0x1, s1;
	s1 =	rddreg [dreg:$0x2]  }
0x5: {  	s30 =	sshll.u32 s0, $0x1;
	[smem:$0x7FF] =	sst s3;
	s8 =	smul.u32 $0x14000, s0  }
0x6: {  	s31 =	smul.u32 $0x50000, s0;
	s12 =	sshll.u32 s0, $0x6;
	s4 =	sor.u32 s6, s30  }
0x7: {  	_ =	strace $0x80000050;
	s9 =	smul.u32 $0x140000, s6;
	s6 =	ssub.s32 $0x2, s6  }
0x8: {  	s12 =	sor.u32 $0x1C02, s12;
	s7 =	smul.u32 $0x500, s4;
	s4 =	sadd.s32 $0x37800, s5  }
0x9: {  	s10 =	sshrl.u32 s8, $0x3;
	s11 =	sshrl.u32 s6, $0x1;
	s8 =	sadd.s32 s8, s9  }
0xa: {  	s10 =	sadd.s32 s10, s5;
	s11 =	ssub.s32 s6, s11;
	s9 =	sshrl.u32 s31, $0x2  }
0xb: {  	s7 =	sadd.s32 s7, s5;
	s8 =	sshrl.u32 s8, $0x3;
	s13 =	sadd.s32 s9, s2  }
0xc: {  	s9 =	smax.u32 s11, $0x1;
	s11 =	simm.s32 $0x2800;
	s8 =	sadd.s32 s8, s5  }
0xd: {  	s5 =	sadd.s32 $0x87800, s7;
	s6 =	sadd.s32 $0x5800, s7;
	s7 =	sadd.s32 $0xF800, s10  }
0xe: {  	s10 =	simm.s32 $0x2;
	s13 =	sshrl.u32 s13, $0x3;
	s8 =	sadd.s32 $0x91800, s8  }
.LBB2_1:
0xf: {  	[tilespmem:s3], [sflag:$0x2] =	stream.linear.gather [hbm4b:s5+s3], $0x2780, $0x38;
	[tilespmem:$0x1D000] =	vst v63  }
0x10: {  	_ =	swait.ge [sflag:s10], $0x2780  }
0x11: {  	[sflag:s10] =	ssyncset.done $0x0  }
0x12: {  	[sflag:s10] =	ssyncadd.s32 $0xFFFFD880  }
0x13: {  	[tilespmem:s11], [sflag:$0x2] =	stream.linear.gather [hbm4b:s6+s3], $0x2780, $0x38;
	[tilespmem:$0x1D000] =	vst v63  }
0x14: {  	_ =	swait.ge [sflag:s10], $0x2780  }
0x15: {  	[sflag:s10] =	ssyncset.done $0x0  }
0x16: {  	[sflag:s10] =	ssyncadd.s32 $0xFFFFD880  }
0x17: {  	[spmem:s13], [sflag:s12] =	dma.local [hbm:s7], $0x2800  }
0x18: {  	_ =	swait.ge [sflag:s10], $0x2800  }
0x19: {  	[sflag:s10] =	ssyncset.done $0x0  }
0x1a: {  	[sflag:s10] =	ssyncadd.s32 $0xFFFFD800  }
0x1b: {  	s18 =	simm.s32 $0x0;
	[bflag:$0x0] =	sbarrier.arrive $0xFFFF  }
0x1c: {  	[tilespmem:s15], [sflag:$0x1] =	stream.indirect.gather [hbm4b:s4+s14], $0x80, s18, s14, $0xb8;
	[tilespmem:$0x1D000] =	vst v63  }
0x1d: {  	_ =	swait.ge [sflag:s16], $0x4000  }
0x1e: {  	[sflag:s16] =	ssyncset.done $0x0  }
0x1f: {  	s31 =	simm.s32 $0x2800;
	[sflag:s16] =	ssyncadd.s32 $0xFFFFC000  }
0x20: {  	[spmem:s2] =	stream.indirect.scatter.add.f32 [tilespmem:s15], [sflag:$0x2], $0x80, s31, s14, $0xb8;
	[tilespmem:$0x1D000] =	vst v63  }
0x21: {  	_ =	swait.ge [sflag:s10], $0x4000  }
0x22: {  	s19 =	simm.s32 $0x400;
	s18 =	simm.s32 $0x200;
	[sflag:s10] =	ssyncset.done $0x0  }
.LBB2_2:
0x23: {  	s20 =	sshra.s32 s18, $0x2  }
0x24: {  	[sflag:s10] =	ssyncadd.s32 $0xFFFFC000;
	s18 =	smov.u32 s19;
	s21 =	sadd.s32 $0x200, s19  }
0x25: {  	[tilespmem:s15], [sflag:$0x1] =	stream.indirect.gather [hbm4b:s4+s14], $0x80, s20, s14, $0xb8;
	[tilespmem:$0x1D000] =	vst v63  }
0x26: {  	p0 =	sne.s32 s19, $0x9C00;
	_ =	swait.ge [sflag:s16], $0x4000  }
.Ltmp0:
0x27: {  	[sflag:s16] =	ssyncset.done $0x0;
	(pc) =	sbr.rel @p0 .LBB2_2-.Ltmp0, $4  }
0x28: {  	s19 =	sadd.s32 $0x2800, s20;
	[sflag:s16] =	ssyncadd.s32 $0xFFFFC000  }
0x29: {  	[spmem:s2] =	stream.indirect.scatter.add.f32 [tilespmem:s15], [sflag:$0x2], $0x80, s19, s14, $0xb8;
	[tilespmem:$0x1D000] =	vst v63  }
0x2a: {  	_ =	swait.ge [sflag:s10], $0x4000  }
0x2b: {  	s19 =	smov.u32 s21;
	[sflag:s10] =	ssyncset.done $0x0  }
0x2c: {  	s18 =	sshra.s32 s18, $0x2;
	[sflag:s10] =	ssyncadd.s32 $0xFFFFC000  }
0x2d: {  	[tilespmem:s15], [sflag:$0x1] =	stream.indirect.gather [hbm4b:s4+s14], $0x80, s18, s14, $0xb8;
	[tilespmem:$0x1D000] =	vst v63  }
0x2e: {  	_ =	swait.ge [sflag:s16], $0x4000  }
0x2f: {  	[sflag:s16] =	ssyncset.done $0x0  }
0x30: {  	s18 =	sadd.s32 $0x2800, s18;
	[sflag:s16] =	ssyncadd.s32 $0xFFFFC000  }
0x31: {  	[spmem:s2] =	stream.indirect.scatter.add.f32 [tilespmem:s15], [sflag:$0x2], $0x80, s18, s14, $0xb8;
	[tilespmem:$0x1D000] =	vst v63  }
0x32: {  	_ =	swait.ge [sflag:s10], $0x4000  }
0x33: {  	s17 =	sadd.s32 $0x1, s17;
	[sflag:s10] =	ssyncset.done $0x0  }
0x34: {  	p0 =	sne.s32 s17, s9;
	[sflag:s10] =	ssyncadd.s32 $0xFFFFC000  }
.Ltmp1:
0x35: {  	[bflag:$0x0] =	sbarrier.arrive $0xFFFF;
	(pc) =	sbr.rel @p0 .LBB2_1-.Ltmp1, $4  }
0x36: {  	[hbm:s8], [sflag:s12] =	dma.local [spmem:s13], $0x2800  }
0x37: {  	_ =	swait.ge [sflag:s10], $0x2800  }
0x38: {  	[sflag:s10] =	ssyncset.done $0x0  }
0x39: {  	[sflag:s10] =	ssyncadd.s32 $0xFFFFD800  }
0x3a: {  	_ =	sfence.sel $0x180000  }
0x3b: {  	[bflag:$0x0] =	sbarrier.arrive $0xFFFF  }
0x3c: {  	p0 =	sne.s32 s0, $0x0;
	_ =	strace $0x90000050  }
0x3d: {  	s0 =	sadd.s32 @!p0 $0x100000, s1;
	[bflag:$0x2] =	sbarrier.arrive $0xFFFF  }
0x3e: {  	[sflag:s0] =	ssyncadd.tile.s32 @!p0 $0x1;
	_ =	shalt  }
.Lfunc_end2:
_tile_overlayer_lowered:
.L_overlay_start_2:
0x3f: {  	(tag) =	ssettag $0x2  }
0x40: {  	s0 =	rddreg [dreg:$0x0];
	s2 =	stileid.u32  }
0x41: {  	s1 =	rddreg [dreg:$0x1];
	p0 =	sne.s32 s2, $0x0  }
0x42: {  	s3 =	rddreg [dreg:$0x2];
	[bflag:$0x3] =	sbarrier.arrive $0xFFFF;
	s2 =	simm.s32 @!p0 $0x1C02  }
0x43: {  	[timem:s3], [sflag:s2] =	dma.local @!p0 [hbm:s0], s1  }
0x44: {  	s0 =	simm.s32 @!p0 $0x2  }
0x45: {  	_ =	swait.ge @!p0 [sflag:s0], s1  }
0x46: {  	s1 =	ssub.s32 @!p0 $0x0, s1;
	[sflag:s0] =	ssyncset.done @!p0 $0x0  }
0x47: {  	[sflag:s0] =	ssyncadd.s32 @!p0 s1  }
0x48: {  	[bflag:$0x3] =	sbarrier.arrive $0xFFFF  }
0x49: {  	_ =	shalt  }

</sc_bundles>
